<compile_context>
chip_gen: v7x
topology: tpu7x:2x2x1
jax: 0.10.2.dev20260603
libtpu: 0.0.44.dev20260713+nightly
codegen_flags: <defaults>
</compile_context>

<pallas_src>
import functools

import jax
import jax.numpy as jnp
from jax.experimental import pallas as pl
from jax.experimental.pallas import tpu as pltpu

N = 5000
NUM_CLASSES = 80
CAP = 128
CROWS = NUM_CLASSES
SROWS = 128
LANES = 128
GROWS = 40
GPAD = GROWS * LANES
IOU_THRESHOLD = 0.5
SCORE_THRESHOLD = 0.05
NEG_INF = float("-inf")
BIG_G = float(2**24 - 1)



def _vec_kernel(x1_ref, y1_ref, x2_ref, y2_ref, s_ref, g_ref,
                score_out_ref, gidx_out_ref):
    x1 = x1_ref[...]
    y1 = y1_ref[...]
    x2 = x2_ref[...]
    y2 = y2_ref[...]
    area = (x2 - x1) * (y2 - y1)
    lane = jax.lax.broadcasted_iota(
        jnp.int32, (CROWS, LANES), 1).astype(jnp.float32)
    big_lane = jnp.float32(1e9)

    def body(_, carry):
        sw, sf = carry
        m = jnp.max(sw, axis=1, keepdims=True)
        lwin = jnp.min(jnp.where(sw == m, lane, big_lane), axis=1,
                       keepdims=True)
        onehot = lane == lwin
        bx1 = jnp.max(jnp.where(onehot, x1, NEG_INF), axis=1, keepdims=True)
        by1 = jnp.max(jnp.where(onehot, y1, NEG_INF), axis=1, keepdims=True)
        bx2 = jnp.max(jnp.where(onehot, x2, NEG_INF), axis=1, keepdims=True)
        by2 = jnp.max(jnp.where(onehot, y2, NEG_INF), axis=1, keepdims=True)
        area_m = (bx2 - bx1) * (by2 - by1)
        w = jnp.maximum(jnp.minimum(bx2, x2) - jnp.maximum(bx1, x1), 0.0)
        h = jnp.maximum(jnp.minimum(by2, y2) - jnp.maximum(by1, y1), 0.0)
        inter = w * h
        iou = inter / (area_m + area - inter + 1e-12)
        decay = jnp.where(iou > IOU_THRESHOLD, 1.0 - iou, 1.0)
        others = (sw != NEG_INF) & jnp.logical_not(onehot)
        sw = jnp.where(others, sw * decay, sw)
        sf = jnp.where(others, sf * decay, sf)
        sw = jnp.where(onehot, NEG_INF, sw)
        return sw, sf

    s0 = s_ref[...]
    _, sf = jax.lax.fori_loop(0, CAP, body, (s0, s0))

    S = jnp.concatenate(
        [sf, jnp.full((SROWS - CROWS, LANES), NEG_INF, jnp.float32)], axis=0)
    G = jnp.concatenate(
        [g_ref[...], jnp.full((SROWS - CROWS, LANES), BIG_G, jnp.float32)],
        axis=0)

    ri = jax.lax.broadcasted_iota(jnp.int32, (SROWS, LANES), 0)
    li = jax.lax.broadcasted_iota(jnp.int32, (SROWS, LANES), 1)
    gi = ri * LANES + li

    def partner(a, j, axis, size):
        sh = j // LANES if axis == 0 else j
        lo = pltpu.roll(a, size - sh, axis=axis)
        hi = pltpu.roll(a, sh, axis=axis)
        return jnp.where((gi & j) != 0, hi, lo)

    def stage(S, G, j, k, axis, size):
        Ps = partner(S, j, axis, size)
        Pg = partner(G, j, axis, size)
        p_less = (Ps > S) | ((Ps == S) & (Pg < G))
        s_less = (S > Ps) | ((S == Ps) & (G < Pg))
        holdmin = ((gi & j) != 0) == ((gi & k) != 0)
        take = (holdmin & p_less) | (jnp.logical_not(holdmin) & s_less)
        return jnp.where(take, Ps, S), jnp.where(take, Pg, G)

    for lvl in range(1, 15):
        k = 1 << lvl
        n_row = max(0, lvl - 7)
        n_lane = min(lvl, 7)

        def row_stage(t, sg, k=k):
            j = (k >> 1) >> t
            return stage(sg[0], sg[1], j, k, 0, SROWS)

        def lane_stage(t, sg, k=k, n_lane=n_lane):
            j = (1 << (n_lane - 1)) >> t
            return stage(sg[0], sg[1], j, k, 1, LANES)

        if n_row:
            S, G = jax.lax.fori_loop(0, n_row, row_stage, (S, G))
        S, G = jax.lax.fori_loop(0, n_lane, lane_stage, (S, G))

    score_out_ref[...] = S
    gidx_out_ref[...] = G


def _vec_path(obox, scores, idxs):
    pos_in_class = jnp.cumsum(
        jax.nn.one_hot(idxs, NUM_CLASSES, dtype=jnp.int32), axis=0,
    )[jnp.arange(N), idxs] - 1
    pos = jnp.minimum(pos_in_class, CAP - 1)

    def scatter(vals, fill):
        z = jnp.full((CROWS, LANES), fill, jnp.float32)
        return z.at[idxs, pos].set(vals)

    x1 = scatter(obox[:, 0], 0.0)
    y1 = scatter(obox[:, 1], 0.0)
    x2 = scatter(obox[:, 2], 0.0)
    y2 = scatter(obox[:, 3], 0.0)
    s = scatter(scores, NEG_INF)
    g = scatter(jnp.arange(N, dtype=jnp.float32), BIG_G)

    vspec = pl.BlockSpec(memory_space=pltpu.VMEM)
    S, G = pl.pallas_call(
        _vec_kernel,
        in_specs=[vspec] * 6,
        out_specs=(vspec, vspec),
        out_shape=(jax.ShapeDtypeStruct((SROWS, LANES), jnp.float32),
                   jax.ShapeDtypeStruct((SROWS, LANES), jnp.float32)),
    )(x1, y1, x2, y2, s, g)

    order = G.reshape(-1)[:N].astype(jnp.int32)
    sel_scores = S.reshape(-1)[:N]
    return order, sel_scores



def _global_kernel(x1_ref, y1_ref, x2_ref, y2_ref, s_ref,
                   x1s_ref, y1s_ref, x2s_ref, y2s_ref,
                   order_ref, score_ref):
    x1 = x1_ref[...]
    y1 = y1_ref[...]
    x2 = x2_ref[...]
    y2 = y2_ref[...]
    area = (x2 - x1) * (y2 - y1)

    idx = (jax.lax.broadcasted_iota(jnp.int32, (GROWS, LANES), 0) * LANES
           + jax.lax.broadcasted_iota(jnp.int32, (GROWS, LANES), 1))
    idx_f = idx.astype(jnp.float32)
    big_f = jnp.float32(3.0e38)

    def body(i, s):
        sf = jnp.max(s.reshape(5, 8, LANES), axis=0)
        sf = jnp.max(sf, axis=0, keepdims=True)
        m_score = jnp.max(sf)
        kf = jnp.min(jnp.where(s == m_score, idx_f, big_f).reshape(
            5, 8, LANES), axis=0)
        kf = jnp.min(kf, axis=0, keepdims=True)
        m = jnp.min(kf).astype(jnp.int32)
        bx1 = x1s_ref[m]
        by1 = y1s_ref[m]
        bx2 = x2s_ref[m]
        by2 = y2s_ref[m]
        area_m = (bx2 - bx1) * (by2 - by1)
        w = jnp.maximum(jnp.minimum(bx2, x2) - jnp.maximum(bx1, x1), 0.0)
        h = jnp.maximum(jnp.minimum(by2, y2) - jnp.maximum(by1, y1), 0.0)
        inter = w * h
        iou = inter / (area_m + area - inter + 1e-12)
        decay = jnp.where(iou > IOU_THRESHOLD, 1.0 - iou, 1.0)
        others = (s != NEG_INF) & (idx != m)
        s = jnp.where(others, s * decay, s)
        s = jnp.where(idx == m, NEG_INF, s)
        order_ref[i] = m
        score_ref[i] = m_score
        return s

    jax.lax.fori_loop(0, N, body, s_ref[...])


def _global_path(obox, scores, idxs):
    del idxs
    pad = GPAD - N
    x1 = jnp.pad(obox[:, 0], (0, pad)).reshape(GROWS, LANES)
    y1 = jnp.pad(obox[:, 1], (0, pad)).reshape(GROWS, LANES)
    x2 = jnp.pad(obox[:, 2], (0, pad)).reshape(GROWS, LANES)
    y2 = jnp.pad(obox[:, 3], (0, pad)).reshape(GROWS, LANES)
    s = jnp.pad(scores, (0, pad), constant_values=NEG_INF).reshape(
        GROWS, LANES)

    vspec = pl.BlockSpec(memory_space=pltpu.VMEM)
    sspec = pl.BlockSpec(memory_space=pltpu.SMEM)
    order, sel_scores = pl.pallas_call(
        _global_kernel,
        in_specs=[vspec] * 5 + [sspec] * 4,
        out_specs=(sspec, sspec),
        out_shape=(jax.ShapeDtypeStruct((N,), jnp.int32),
                   jax.ShapeDtypeStruct((N,), jnp.float32)),
    )(x1, y1, x2, y2, s, obox[:, 0], obox[:, 1], obox[:, 2], obox[:, 3])
    return order, sel_scores


def kernel(boxes, scores, idxs):
    max_coord = jnp.max(boxes)
    offsets = idxs.astype(boxes.dtype) * (max_coord + 1.0)
    obox = boxes + offsets[:, None]

    counts = jnp.sum(jax.nn.one_hot(idxs, NUM_CLASSES, dtype=jnp.int32),
                     axis=0)
    fits = jnp.max(counts) <= CAP
    order, sel_scores = jax.lax.cond(
        fits, _vec_path, _global_path, obox, scores, idxs)
    keep_mask = sel_scores > SCORE_THRESHOLD
    return order, sel_scores, keep_mask

# --- scband reference (transcript-rebuilt; emitter-appended) ---
"""Pipeline reference for scband-test-batched-soft-nms-3040836846184 (READ-ONLY COPY).

The authoritative reference and input builder live on the scoring server;
editing this copy changes nothing except your own understanding.
"""

import jax, jax.numpy as jnp
import numpy as np

N = 5000
NUM_CLASSES = 80
IOU_THRESHOLD = 0.5
SCORE_THRESHOLD = 0.05


def setup_inputs(seed: int = 0) -> dict:
    key = jax.random.key(seed)
    k1, k2, k3, k4 = jax.random.split(key, 4)
    # valid boxes: x1y1 in [0,1000), wh in [1,101)
    xy = jax.random.uniform(k1, (N, 2), dtype=jnp.float32) * 1000.0
    wh = jax.random.uniform(k2, (N, 2), dtype=jnp.float32) * 100.0 + 1.0
    boxes = jnp.concatenate([xy, xy + wh], axis=1)
    scores = jax.random.uniform(k3, (N,), dtype=jnp.float32)
    idxs = jax.random.randint(k4, (N,), 0, NUM_CLASSES, dtype=jnp.int32)
    return {"boxes": boxes, "scores": scores, "idxs": idxs}


def _iou_one_vs_all(box, boxes):
    lt = jnp.maximum(box[:2], boxes[:, :2])
    rb = jnp.minimum(box[2:], boxes[:, 2:])
    whi = jnp.maximum(rb - lt, 0.0)
    inter = whi[:, 0] * whi[:, 1]
    area1 = (box[2] - box[0]) * (box[3] - box[1])
    area2 = (boxes[:, 2] - boxes[:, 0]) * (boxes[:, 3] - boxes[:, 1])
    return inter / (area1 + area2 - inter + 1e-12)


def _batched_soft_nms(boxes, scores, idxs, iou_threshold, score_threshold):
    n = boxes.shape[0]
    # class-offset trick: boxes of different classes never overlap
    max_coord = jnp.max(boxes)
    offsets = idxs.astype(boxes.dtype) * (max_coord + 1.0)
    obox = boxes + offsets[:, None]
    arange_n = jnp.arange(n)

    def step(carry, _):
        s, active = carry
        masked = jnp.where(active, s, -jnp.inf)
        m = jnp.argmax(masked)
        m_score = masked[m]
        iou = _iou_one_vs_all(obox[m], obox)
        # linear soft-NMS decay
        decay = jnp.where(iou > iou_threshold, 1.0 - iou, 1.0)
        others = active & (arange_n != m)
        s_new = jnp.where(others, s * decay, s)
        active_new = active.at[m].set(False)
        return (s_new, active_new), (m, m_score)

    init = (scores, jnp.ones((n,), dtype=bool))
    _, (order, sel_scores) = jax.lax.scan(step, init, xs=None, length=n)
    keep_mask = sel_scores > score_threshold
    return order, sel_scores, keep_mask


def reference(boxes, scores, idxs):
    return _batched_soft_nms(boxes, scores, idxs, IOU_THRESHOLD, SCORE_THRESHOLD)

if __name__ == "__main__":
    import jax
    _d = setup_inputs()
    print(jax.jit(kernel)(*tuple(_d.values())))

</pallas_src>

<mosaic_0001>
module attributes {stable_mosaic.version = 14 : i64} {
  func.func @_global_kernel(%arg0: memref<40x128xf32, #tpu.memory_space<vmem>>, %arg1: memref<40x128xf32, #tpu.memory_space<vmem>>, %arg2: memref<40x128xf32, #tpu.memory_space<vmem>>, %arg3: memref<40x128xf32, #tpu.memory_space<vmem>>, %arg4: memref<40x128xf32, #tpu.memory_space<vmem>>, %arg5: memref<5000xf32, #tpu.memory_space<smem>>, %arg6: memref<5000xf32, #tpu.memory_space<smem>>, %arg7: memref<5000xf32, #tpu.memory_space<smem>>, %arg8: memref<5000xf32, #tpu.memory_space<smem>>, %arg9: memref<5000xi32, #tpu.memory_space<smem>>, %arg10: memref<5000xf32, #tpu.memory_space<smem>>) attributes {dimension_semantics = [], scalar_prefetch = 0 : i64, scratch_operands = 0 : i64, tpu.core_type = #tpu.core_type<tc>} {
    %get3A = arith.constant 0 : index
    %get3A_0 = arith.constant 0 : index
    %get3A_1 = vector.load %arg0[%get3A, %get3A_0] : memref<40x128xf32, #tpu.memory_space<vmem>>, vector<40x128xf32>
    %get3A_2 = arith.constant 0 : index
    %get3A_3 = arith.constant 0 : index
    %get3A_4 = vector.load %arg1[%get3A_2, %get3A_3] : memref<40x128xf32, #tpu.memory_space<vmem>>, vector<40x128xf32>
    %get3A_5 = arith.constant 0 : index
    %get3A_6 = arith.constant 0 : index
    %get3A_7 = vector.load %arg2[%get3A_5, %get3A_6] : memref<40x128xf32, #tpu.memory_space<vmem>>, vector<40x128xf32>
    %get3A_8 = arith.constant 0 : index
    %get3A_9 = arith.constant 0 : index
    %get3A_10 = vector.load %arg3[%get3A_8, %get3A_9] : memref<40x128xf32, #tpu.memory_space<vmem>>, vector<40x128xf32>
    %sub3A = arith.subf %get3A_7, %get3A_1 : vector<40x128xf32>
    %sub3A_11 = arith.subf %get3A_10, %get3A_4 : vector<40x128xf32>
    %mul3A = arith.mulf %sub3A, %sub3A_11 : vector<40x128xf32>
    %iota3A = tpu.iota {dimensions = array<i32: 0>} : vector<40x128xi32>
    %mul3A_12 = arith.constant 128 : i32
    %mul3A_13 = vector.broadcast %mul3A_12 : i32 to vector<40x128xi32>
    %mul3A_14 = arith.muli %iota3A, %mul3A_13 : vector<40x128xi32>
    %iota3A_15 = tpu.iota {dimensions = array<i32: 1>} : vector<40x128xi32>
    %add3A = arith.addi %mul3A_14, %iota3A_15 : vector<40x128xi32>
    %convert_element_type3A = arith.sitofp %add3A : vector<40x128xi32> to vector<40x128xf32>
    %get3A_16 = arith.constant 0 : index
    %get3A_17 = arith.constant 0 : index
    %get3A_18 = vector.load %arg4[%get3A_16, %get3A_17] : memref<40x128xf32, #tpu.memory_space<vmem>>, vector<40x128xf32>
    %scan3A = arith.constant 3.000000e+38 : f32
    %scan3A_19 = arith.constant 0 : i32
    %scan3A_20 = arith.constant 5000 : i32
    %scan3A_21 = arith.addi %scan3A_19, %scan3A_20 : i32
    %scan3A_22 = arith.constant 1 : i32
    %scan3A_23 = scf.for %scan3A_25 = %scan3A_19 to %scan3A_21 step %scan3A_22 iter_args(%scan3A_26 = %get3A_18) -> (vector<40x128xf32>)  : i32 {
      %reshape3A = vector.shape_cast %scan3A_26 : vector<40x128xf32> to vector<5x8x128xf32>
      %reduce_max3A = arith.constant dense<0xFF800000> : vector<8x128xf32>
      %reduce_max3A_27 = vector.multi_reduction <maximumf>, %reshape3A, %reduce_max3A [0] : vector<5x8x128xf32> to vector<8x128xf32>
      %reduce_max3A_28 = arith.constant dense<0xFF800000> : vector<128xf32>
      %reduce_max3A_29 = vector.multi_reduction <maximumf>, %reduce_max3A_27, %reduce_max3A_28 [0] : vector<8x128xf32> to vector<128xf32>
      %broadcast_in_dim3A = vector.shape_cast %reduce_max3A_29 : vector<128xf32> to vector<1x128xf32>
      %reduce_max3A_30 = vector.shape_cast %broadcast_in_dim3A : vector<1x128xf32> to vector<1x1x128xf32>
      %reduce_max3A_31 = arith.constant dense<0xFF800000> : vector<1xf32>
      %reduce_max3A_32 = vector.multi_reduction <maximumf>, %reduce_max3A_30, %reduce_max3A_31 [1, 2] : vector<1x1x128xf32> to vector<1xf32>
      %reduce_max3A_33 = vector.shape_cast %reduce_max3A_32 : vector<1xf32> to vector<1x1x1xf32>
      %reduce_max3A_34 = vector.extract %reduce_max3A_33[0, 0, 0] : f32 from vector<1x1x1xf32>
      %eq3A = vector.broadcast %reduce_max3A_34 : f32 to vector<40x128xf32>
      %eq3A_35 = arith.cmpf oeq, %scan3A_26, %eq3A : vector<40x128xf32>
      %broadcast_in_dim3A_36 = vector.broadcast %scan3A : f32 to vector<40x128xf32>
      %select_n3A = arith.select %eq3A_35, %convert_element_type3A, %broadcast_in_dim3A_36 : vector<40x128xi1>, vector<40x128xf32>
      %reshape3A_37 = vector.shape_cast %select_n3A : vector<40x128xf32> to vector<5x8x128xf32>
      %reduce_min3A = arith.constant dense<0x7F800000> : vector<8x128xf32>
      %reduce_min3A_38 = vector.multi_reduction <minimumf>, %reshape3A_37, %reduce_min3A [0] : vector<5x8x128xf32> to vector<8x128xf32>
      %reduce_min3A_39 = arith.constant dense<0x7F800000> : vector<128xf32>
      %reduce_min3A_40 = vector.multi_reduction <minimumf>, %reduce_min3A_38, %reduce_min3A_39 [0] : vector<8x128xf32> to vector<128xf32>
      %broadcast_in_dim3A_41 = vector.shape_cast %reduce_min3A_40 : vector<128xf32> to vector<1x128xf32>
      %reduce_min3A_42 = vector.shape_cast %broadcast_in_dim3A_41 : vector<1x128xf32> to vector<1x1x128xf32>
      %reduce_min3A_43 = arith.constant dense<0x7F800000> : vector<1xf32>
      %reduce_min3A_44 = vector.multi_reduction <minimumf>, %reduce_min3A_42, %reduce_min3A_43 [1, 2] : vector<1x1x128xf32> to vector<1xf32>
      %reduce_min3A_45 = vector.shape_cast %reduce_min3A_44 : vector<1xf32> to vector<1x1x1xf32>
      %reduce_min3A_46 = vector.extract %reduce_min3A_45[0, 0, 0] : f32 from vector<1x1x1xf32>
      %convert_element_type3A_47 = arith.fptosi %reduce_min3A_46 : f32 to i32
      %get3A_48 = arith.index_cast %convert_element_type3A_47 : i32 to index
      %get3A_49 = memref.load %arg5[%get3A_48] : memref<5000xf32, #tpu.memory_space<smem>>
      %get3A_50 = arith.index_cast %convert_element_type3A_47 : i32 to index
      %get3A_51 = memref.load %arg6[%get3A_50] : memref<5000xf32, #tpu.memory_space<smem>>
      %get3A_52 = arith.index_cast %convert_element_type3A_47 : i32 to index
      %get3A_53 = memref.load %arg7[%get3A_52] : memref<5000xf32, #tpu.memory_space<smem>>
      %get3A_54 = arith.index_cast %convert_element_type3A_47 : i32 to index
      %get3A_55 = memref.load %arg8[%get3A_54] : memref<5000xf32, #tpu.memory_space<smem>>
      %sub3A_56 = arith.subf %get3A_53, %get3A_49 : f32
      %sub3A_57 = arith.subf %get3A_55, %get3A_51 : f32
      %mul3A_58 = arith.mulf %sub3A_56, %sub3A_57 : f32
      %min3A = vector.broadcast %get3A_53 : f32 to vector<40x128xf32>
      %min3A_59 = arith.minimumf %min3A, %get3A_7 : vector<40x128xf32>
      %max3A = vector.broadcast %get3A_49 : f32 to vector<40x128xf32>
      %max3A_60 = arith.maximumf %max3A, %get3A_1 : vector<40x128xf32>
      %sub3A_61 = arith.subf %min3A_59, %max3A_60 : vector<40x128xf32>
      %max3A_62 = arith.constant 0.000000e+00 : f32
      %max3A_63 = vector.broadcast %max3A_62 : f32 to vector<40x128xf32>
      %max3A_64 = arith.maximumf %sub3A_61, %max3A_63 : vector<40x128xf32>
      %min3A_65 = vector.broadcast %get3A_55 : f32 to vector<40x128xf32>
      %min3A_66 = arith.minimumf %min3A_65, %get3A_10 : vector<40x128xf32>
      %max3A_67 = vector.broadcast %get3A_51 : f32 to vector<40x128xf32>
      %max3A_68 = arith.maximumf %max3A_67, %get3A_4 : vector<40x128xf32>
      %sub3A_69 = arith.subf %min3A_66, %max3A_68 : vector<40x128xf32>
      %max3A_70 = arith.constant 0.000000e+00 : f32
      %max3A_71 = vector.broadcast %max3A_70 : f32 to vector<40x128xf32>
      %max3A_72 = arith.maximumf %sub3A_69, %max3A_71 : vector<40x128xf32>
      %mul3A_73 = arith.mulf %max3A_64, %max3A_72 : vector<40x128xf32>
      %add3A_74 = vector.broadcast %mul3A_58 : f32 to vector<40x128xf32>
      %add3A_75 = arith.addf %add3A_74, %mul3A : vector<40x128xf32>
      %sub3A_76 = arith.subf %add3A_75, %mul3A_73 : vector<40x128xf32>
      %add3A_77 = arith.constant 9.99999996E-13 : f32
      %add3A_78 = vector.broadcast %add3A_77 : f32 to vector<40x128xf32>
      %add3A_79 = arith.addf %sub3A_76, %add3A_78 : vector<40x128xf32>
      %div3A = arith.divf %mul3A_73, %add3A_79 : vector<40x128xf32>
      %gt3A = arith.constant 5.000000e-01 : f32
      %gt3A_80 = vector.broadcast %gt3A : f32 to vector<40x128xf32>
      %gt3A_81 = arith.cmpf ogt, %div3A, %gt3A_80 : vector<40x128xf32>
      %sub3A_82 = arith.constant 1.000000e+00 : f32
      %sub3A_83 = vector.broadcast %sub3A_82 : f32 to vector<40x128xf32>
      %sub3A_84 = arith.subf %sub3A_83, %div3A : vector<40x128xf32>
      %jit3A = arith.constant 1.000000e+00 : f32
      %broadcast_in_dim3A_85 = vector.broadcast %jit3A : f32 to vector<40x128xf32>
      %select_n3A_86 = arith.select %gt3A_81, %sub3A_84, %broadcast_in_dim3A_85 : vector<40x128xi1>, vector<40x128xf32>
      %ne3A = arith.constant 0xFF800000 : f32
      %ne3A_87 = vector.broadcast %ne3A : f32 to vector<40x128xf32>
      %ne3A_88 = arith.cmpf one, %scan3A_26, %ne3A_87 : vector<40x128xf32>
      %ne3A_89 = vector.broadcast %convert_element_type3A_47 : i32 to vector<40x128xi32>
      %ne3A_90 = arith.cmpi ne, %add3A, %ne3A_89 : vector<40x128xi32>
      %and3A = arith.andi %ne3A_88, %ne3A_90 : vector<40x128xi1>
      %mul3A_91 = arith.mulf %scan3A_26, %select_n3A_86 : vector<40x128xf32>
      %select_n3A_92 = arith.select %and3A, %mul3A_91, %scan3A_26 : vector<40x128xi1>, vector<40x128xf32>
      %eq3A_93 = vector.broadcast %convert_element_type3A_47 : i32 to vector<40x128xi32>
      %eq3A_94 = arith.cmpi eq, %add3A, %eq3A_93 : vector<40x128xi32>
      %jit3A_95 = arith.constant 0xFF800000 : f32
      %broadcast_in_dim3A_96 = vector.broadcast %jit3A_95 : f32 to vector<40x128xf32>
      %select_n3A_97 = arith.select %eq3A_94, %broadcast_in_dim3A_96, %select_n3A_92 : vector<40x128xi1>, vector<40x128xf32>
      %swap3A = arith.index_cast %scan3A_25 : i32 to index
      %swap3A_98 = memref.load %arg9[%swap3A] : memref<5000xi32, #tpu.memory_space<smem>>
      memref.store %convert_element_type3A_47, %arg9[%swap3A] : memref<5000xi32, #tpu.memory_space<smem>>
      %swap3A_99 = arith.index_cast %scan3A_25 : i32 to index
      %swap3A_100 = memref.load %arg10[%swap3A_99] : memref<5000xf32, #tpu.memory_space<smem>>
      memref.store %reduce_max3A_34, %arg10[%swap3A_99] : memref<5000xf32, #tpu.memory_space<smem>>
      scf.yield %select_n3A_97 : vector<40x128xf32>
    }
    %scan3A_24 = arith.constant 5000 : i32
    return
  }
}

module attributes {stable_mosaic.version = 14 : i64} {
  func.func @_vec_kernel(%arg0: memref<80x128xf32, #tpu.memory_space<vmem>>, %arg1: memref<80x128xf32, #tpu.memory_space<vmem>>, %arg2: memref<80x128xf32, #tpu.memory_space<vmem>>, %arg3: memref<80x128xf32, #tpu.memory_space<vmem>>, %arg4: memref<80x128xf32, #tpu.memory_space<vmem>>, %arg5: memref<80x128xf32, #tpu.memory_space<vmem>>, %arg6: memref<128x128xf32, #tpu.memory_space<vmem>>, %arg7: memref<128x128xf32, #tpu.memory_space<vmem>>) attributes {dimension_semantics = [], scalar_prefetch = 0 : i64, scratch_operands = 0 : i64, tpu.core_type = #tpu.core_type<tc>} {
    %get3A = arith.constant 0 : index
    %get3A_0 = arith.constant 0 : index
    %get3A_1 = vector.load %arg0[%get3A, %get3A_0] : memref<80x128xf32, #tpu.memory_space<vmem>>, vector<80x128xf32>
    %get3A_2 = arith.constant 0 : index
    %get3A_3 = arith.constant 0 : index
    %get3A_4 = vector.load %arg1[%get3A_2, %get3A_3] : memref<80x128xf32, #tpu.memory_space<vmem>>, vector<80x128xf32>
    %get3A_5 = arith.constant 0 : index
    %get3A_6 = arith.constant 0 : index
    %get3A_7 = vector.load %arg2[%get3A_5, %get3A_6] : memref<80x128xf32, #tpu.memory_space<vmem>>, vector<80x128xf32>
    %get3A_8 = arith.constant 0 : index
    %get3A_9 = arith.constant 0 : index
    %get3A_10 = vector.load %arg3[%get3A_8, %get3A_9] : memref<80x128xf32, #tpu.memory_space<vmem>>, vector<80x128xf32>
    %sub3A = arith.subf %get3A_7, %get3A_1 : vector<80x128xf32>
    %sub3A_11 = arith.subf %get3A_10, %get3A_4 : vector<80x128xf32>
    %mul3A = arith.mulf %sub3A, %sub3A_11 : vector<80x128xf32>
    %iota3A = tpu.iota {dimensions = array<i32: 1>} : vector<80x128xi32>
    %convert_element_type3A = arith.sitofp %iota3A : vector<80x128xi32> to vector<80x128xf32>
    %get3A_12 = arith.constant 0 : index
    %get3A_13 = arith.constant 0 : index
    %get3A_14 = vector.load %arg4[%get3A_12, %get3A_13] : memref<80x128xf32, #tpu.memory_space<vmem>>, vector<80x128xf32>
    %scan3A = arith.constant 1.000000e+09 : f32
    %scan3A_15 = arith.constant 0 : i32
    %scan3A_16 = arith.constant 128 : i32
    %scan3A_17 = arith.addi %scan3A_15, %scan3A_16 : i32
    %scan3A_18 = arith.constant 1 : i32
    %scan3A_19:2 = scf.for %scan3A_295 = %scan3A_15 to %scan3A_17 step %scan3A_18 iter_args(%scan3A_296 = %get3A_14, %scan3A_297 = %get3A_14) -> (vector<80x128xf32>, vector<80x128xf32>)  : i32 {
      %reduce_max3A = arith.constant dense<0xFF800000> : vector<80xf32>
      %reduce_max3A_298 = vector.multi_reduction <maximumf>, %scan3A_296, %reduce_max3A [1] : vector<80x128xf32> to vector<80xf32>
      %broadcast_in_dim3A_299 = vector.shape_cast %reduce_max3A_298 : vector<80xf32> to vector<80x1xf32>
      %eq3A_300 = vector.broadcast %broadcast_in_dim3A_299 : vector<80x1xf32> to vector<80x128xf32>
      %eq3A_301 = arith.cmpf oeq, %scan3A_296, %eq3A_300 : vector<80x128xf32>
      %broadcast_in_dim3A_302 = vector.broadcast %scan3A : f32 to vector<80x128xf32>
      %select_n3A_303 = arith.select %eq3A_301, %convert_element_type3A, %broadcast_in_dim3A_302 : vector<80x128xi1>, vector<80x128xf32>
      %reduce_min3A = arith.constant dense<0x7F800000> : vector<80xf32>
      %reduce_min3A_304 = vector.multi_reduction <minimumf>, %select_n3A_303, %reduce_min3A [1] : vector<80x128xf32> to vector<80xf32>
      %broadcast_in_dim3A_305 = vector.shape_cast %reduce_min3A_304 : vector<80xf32> to vector<80x1xf32>
      %eq3A_306 = vector.broadcast %broadcast_in_dim3A_305 : vector<80x1xf32> to vector<80x128xf32>
      %eq3A_307 = arith.cmpf oeq, %convert_element_type3A, %eq3A_306 : vector<80x128xf32>
      %jit3A_308 = arith.constant 0xFF800000 : f32
      %broadcast_in_dim3A_309 = vector.broadcast %jit3A_308 : f32 to vector<80x128xf32>
      %select_n3A_310 = arith.select %eq3A_307, %get3A_1, %broadcast_in_dim3A_309 : vector<80x128xi1>, vector<80x128xf32>
      %reduce_max3A_311 = arith.constant dense<0xFF800000> : vector<80xf32>
      %reduce_max3A_312 = vector.multi_reduction <maximumf>, %select_n3A_310, %reduce_max3A_311 [1] : vector<80x128xf32> to vector<80xf32>
      %broadcast_in_dim3A_313 = vector.shape_cast %reduce_max3A_312 : vector<80xf32> to vector<80x1xf32>
      %jit3A_314 = arith.constant 0xFF800000 : f32
      %broadcast_in_dim3A_315 = vector.broadcast %jit3A_314 : f32 to vector<80x128xf32>
      %select_n3A_316 = arith.select %eq3A_307, %get3A_4, %broadcast_in_dim3A_315 : vector<80x128xi1>, vector<80x128xf32>
      %reduce_max3A_317 = arith.constant dense<0xFF800000> : vector<80xf32>
      %reduce_max3A_318 = vector.multi_reduction <maximumf>, %select_n3A_316, %reduce_max3A_317 [1] : vector<80x128xf32> to vector<80xf32>
      %broadcast_in_dim3A_319 = vector.shape_cast %reduce_max3A_318 : vector<80xf32> to vector<80x1xf32>
      %jit3A_320 = arith.constant 0xFF800000 : f32
      %broadcast_in_dim3A_321 = vector.broadcast %jit3A_320 : f32 to vector<80x128xf32>
      %select_n3A_322 = arith.select %eq3A_307, %get3A_7, %broadcast_in_dim3A_321 : vector<80x128xi1>, vector<80x128xf32>
      %reduce_max3A_323 = arith.constant dense<0xFF800000> : vector<80xf32>
      %reduce_max3A_324 = vector.multi_reduction <maximumf>, %select_n3A_322, %reduce_max3A_323 [1] : vector<80x128xf32> to vector<80xf32>
      %broadcast_in_dim3A_325 = vector.shape_cast %reduce_max3A_324 : vector<80xf32> to vector<80x1xf32>
      %jit3A_326 = arith.constant 0xFF800000 : f32
      %broadcast_in_dim3A_327 = vector.broadcast %jit3A_326 : f32 to vector<80x128xf32>
      %select_n3A_328 = arith.select %eq3A_307, %get3A_10, %broadcast_in_dim3A_327 : vector<80x128xi1>, vector<80x128xf32>
      %reduce_max3A_329 = arith.constant dense<0xFF800000> : vector<80xf32>
      %reduce_max3A_330 = vector.multi_reduction <maximumf>, %select_n3A_328, %reduce_max3A_329 [1] : vector<80x128xf32> to vector<80xf32>
      %broadcast_in_dim3A_331 = vector.shape_cast %reduce_max3A_330 : vector<80xf32> to vector<80x1xf32>
      %sub3A_332 = arith.subf %broadcast_in_dim3A_325, %broadcast_in_dim3A_313 : vector<80x1xf32>
      %sub3A_333 = arith.subf %broadcast_in_dim3A_331, %broadcast_in_dim3A_319 : vector<80x1xf32>
      %mul3A_334 = arith.mulf %sub3A_332, %sub3A_333 : vector<80x1xf32>
      %min3A = vector.broadcast %broadcast_in_dim3A_325 : vector<80x1xf32> to vector<80x128xf32>
      %min3A_335 = arith.minimumf %min3A, %get3A_7 : vector<80x128xf32>
      %max3A = vector.broadcast %broadcast_in_dim3A_313 : vector<80x1xf32> to vector<80x128xf32>
      %max3A_336 = arith.maximumf %max3A, %get3A_1 : vector<80x128xf32>
      %sub3A_337 = arith.subf %min3A_335, %max3A_336 : vector<80x128xf32>
      %max3A_338 = arith.constant 0.000000e+00 : f32
      %max3A_339 = vector.broadcast %max3A_338 : f32 to vector<80x128xf32>
      %max3A_340 = arith.maximumf %sub3A_337, %max3A_339 : vector<80x128xf32>
      %min3A_341 = vector.broadcast %broadcast_in_dim3A_331 : vector<80x1xf32> to vector<80x128xf32>
      %min3A_342 = arith.minimumf %min3A_341, %get3A_10 : vector<80x128xf32>
      %max3A_343 = vector.broadcast %broadcast_in_dim3A_319 : vector<80x1xf32> to vector<80x128xf32>
      %max3A_344 = arith.maximumf %max3A_343, %get3A_4 : vector<80x128xf32>
      %sub3A_345 = arith.subf %min3A_342, %max3A_344 : vector<80x128xf32>
      %max3A_346 = arith.constant 0.000000e+00 : f32
      %max3A_347 = vector.broadcast %max3A_346 : f32 to vector<80x128xf32>
      %max3A_348 = arith.maximumf %sub3A_345, %max3A_347 : vector<80x128xf32>
      %mul3A_349 = arith.mulf %max3A_340, %max3A_348 : vector<80x128xf32>
      %add3A_350 = vector.broadcast %mul3A_334 : vector<80x1xf32> to vector<80x128xf32>
      %add3A_351 = arith.addf %add3A_350, %mul3A : vector<80x128xf32>
      %sub3A_352 = arith.subf %add3A_351, %mul3A_349 : vector<80x128xf32>
      %add3A_353 = arith.constant 9.99999996E-13 : f32
      %add3A_354 = vector.broadcast %add3A_353 : f32 to vector<80x128xf32>
      %add3A_355 = arith.addf %sub3A_352, %add3A_354 : vector<80x128xf32>
      %div3A_356 = arith.divf %mul3A_349, %add3A_355 : vector<80x128xf32>
      %gt3A_357 = arith.constant 5.000000e-01 : f32
      %gt3A_358 = vector.broadcast %gt3A_357 : f32 to vector<80x128xf32>
      %gt3A_359 = arith.cmpf ogt, %div3A_356, %gt3A_358 : vector<80x128xf32>
      %sub3A_360 = arith.constant 1.000000e+00 : f32
      %sub3A_361 = vector.broadcast %sub3A_360 : f32 to vector<80x128xf32>
      %sub3A_362 = arith.subf %sub3A_361, %div3A_356 : vector<80x128xf32>
      %jit3A_363 = arith.constant 1.000000e+00 : f32
      %broadcast_in_dim3A_364 = vector.broadcast %jit3A_363 : f32 to vector<80x128xf32>
      %select_n3A_365 = arith.select %gt3A_359, %sub3A_362, %broadcast_in_dim3A_364 : vector<80x128xi1>, vector<80x128xf32>
      %ne3A_366 = arith.constant 0xFF800000 : f32
      %ne3A_367 = vector.broadcast %ne3A_366 : f32 to vector<80x128xf32>
      %ne3A_368 = arith.cmpf one, %scan3A_296, %ne3A_367 : vector<80x128xf32>
      %not3A_369 = arith.constant dense<true> : vector<80x128xi1>
      %not3A_370 = arith.xori %eq3A_307, %not3A_369 : vector<80x128xi1>
      %and3A_371 = arith.andi %ne3A_368, %not3A_370 : vector<80x128xi1>
      %mul3A_372 = arith.mulf %scan3A_296, %select_n3A_365 : vector<80x128xf32>
      %select_n3A_373 = arith.select %and3A_371, %mul3A_372, %scan3A_296 : vector<80x128xi1>, vector<80x128xf32>
      %mul3A_374 = arith.mulf %scan3A_297, %select_n3A_365 : vector<80x128xf32>
      %select_n3A_375 = arith.select %and3A_371, %mul3A_374, %scan3A_297 : vector<80x128xi1>, vector<80x128xf32>
      %jit3A_376 = arith.constant 0xFF800000 : f32
      %broadcast_in_dim3A_377 = vector.broadcast %jit3A_376 : f32 to vector<80x128xf32>
      %select_n3A_378 = arith.select %eq3A_307, %broadcast_in_dim3A_377, %select_n3A_373 : vector<80x128xi1>, vector<80x128xf32>
      scf.yield %select_n3A_378, %select_n3A_375 : vector<80x128xf32>, vector<80x128xf32>
    }
    %broadcast_in_dim3A = arith.constant 0xFF800000 : f32
    %broadcast_in_dim3A_20 = vector.broadcast %broadcast_in_dim3A : f32 to vector<48x128xf32>
    %concatenate3A = tpu.concatenate %scan3A_19#1, %broadcast_in_dim3A_20 in 0 : vector<80x128xf32>, vector<48x128xf32> -> vector<128x128xf32>
    %get3A_21 = arith.constant 0 : index
    %get3A_22 = arith.constant 0 : index
    %get3A_23 = vector.load %arg5[%get3A_21, %get3A_22] : memref<80x128xf32, #tpu.memory_space<vmem>>, vector<80x128xf32>
    %broadcast_in_dim3A_24 = arith.constant 0x4B7FFFFF : f32
    %broadcast_in_dim3A_25 = vector.broadcast %broadcast_in_dim3A_24 : f32 to vector<48x128xf32>
    %concatenate3A_26 = tpu.concatenate %get3A_23, %broadcast_in_dim3A_25 in 0 : vector<80x128xf32>, vector<48x128xf32> -> vector<128x128xf32>
    %iota3A_27 = tpu.iota {dimensions = array<i32: 0>} : vector<128x128xi32>
    %iota3A_28 = tpu.iota {dimensions = array<i32: 1>} : vector<128x128xi32>
    %mul3A_29 = arith.constant 128 : i32
    %mul3A_30 = vector.broadcast %mul3A_29 : i32 to vector<128x128xi32>
    %mul3A_31 = arith.muli %iota3A_27, %mul3A_30 : vector<128x128xi32>
    %add3A = arith.addi %mul3A_31, %iota3A_28 : vector<128x128xi32>
    %scan3A_32 = arith.constant 0 : i32
    %shift_right_arithmetic3A = arith.constant 1 : i32
    %shift_right_arithmetic3A_33 = arith.shrsi %shift_right_arithmetic3A, %scan3A_32 : i32
    %sub3A_34 = arith.constant 128 : i32
    %sub3A_35 = arith.subi %sub3A_34, %shift_right_arithmetic3A_33 : i32
    %roll3A = tpu.dynamic_rotate %concatenate3A by %sub3A_35 dim 1 : vector<128x128xf32>, i32 -> vector<128x128xf32>
    %roll3A_36 = tpu.dynamic_rotate %concatenate3A by %shift_right_arithmetic3A_33 dim 1 : vector<128x128xf32>, i32 -> vector<128x128xf32>
    %and3A = vector.broadcast %shift_right_arithmetic3A_33 : i32 to vector<128x128xi32>
    %and3A_37 = arith.andi %add3A, %and3A : vector<128x128xi32>
    %ne3A = arith.constant 0 : i32
    %ne3A_38 = vector.broadcast %ne3A : i32 to vector<128x128xi32>
    %ne3A_39 = arith.cmpi ne, %and3A_37, %ne3A_38 : vector<128x128xi32>
    %select_n3A = arith.select %ne3A_39, %roll3A_36, %roll3A : vector<128x128xi1>, vector<128x128xf32>
    %sub3A_40 = arith.constant 128 : i32
    %sub3A_41 = arith.subi %sub3A_40, %shift_right_arithmetic3A_33 : i32
    %roll3A_42 = tpu.dynamic_rotate %concatenate3A_26 by %sub3A_41 dim 1 : vector<128x128xf32>, i32 -> vector<128x128xf32>
    %roll3A_43 = tpu.dynamic_rotate %concatenate3A_26 by %shift_right_arithmetic3A_33 dim 1 : vector<128x128xf32>, i32 -> vector<128x128xf32>
    %and3A_44 = vector.broadcast %shift_right_arithmetic3A_33 : i32 to vector<128x128xi32>
    %and3A_45 = arith.andi %add3A, %and3A_44 : vector<128x128xi32>
    %ne3A_46 = arith.constant 0 : i32
    %ne3A_47 = vector.broadcast %ne3A_46 : i32 to vector<128x128xi32>
    %ne3A_48 = arith.cmpi ne, %and3A_45, %ne3A_47 : vector<128x128xi32>
    %select_n3A_49 = arith.select %ne3A_48, %roll3A_43, %roll3A_42 : vector<128x128xi1>, vector<128x128xf32>
    %gt3A = arith.cmpf ogt, %select_n3A, %concatenate3A : vector<128x128xf32>
    %eq3A = arith.cmpf oeq, %select_n3A, %concatenate3A : vector<128x128xf32>
    %lt3A = arith.cmpf olt, %select_n3A_49, %concatenate3A_26 : vector<128x128xf32>
    %and3A_50 = arith.andi %eq3A, %lt3A : vector<128x128xi1>
    %or3A = arith.ori %gt3A, %and3A_50 : vector<128x128xi1>
    %gt3A_51 = arith.cmpf ogt, %concatenate3A, %select_n3A : vector<128x128xf32>
    %eq3A_52 = arith.cmpf oeq, %concatenate3A, %select_n3A : vector<128x128xf32>
    %lt3A_53 = arith.cmpf olt, %concatenate3A_26, %select_n3A_49 : vector<128x128xf32>
    %and3A_54 = arith.andi %eq3A_52, %lt3A_53 : vector<128x128xi1>
    %or3A_55 = arith.ori %gt3A_51, %and3A_54 : vector<128x128xi1>
    %and3A_56 = vector.broadcast %shift_right_arithmetic3A_33 : i32 to vector<128x128xi32>
    %and3A_57 = arith.andi %add3A, %and3A_56 : vector<128x128xi32>
    %ne3A_58 = arith.constant 0 : i32
    %ne3A_59 = vector.broadcast %ne3A_58 : i32 to vector<128x128xi32>
    %ne3A_60 = arith.cmpi ne, %and3A_57, %ne3A_59 : vector<128x128xi32>
    %and3A_61 = arith.constant 2 : i32
    %and3A_62 = vector.broadcast %and3A_61 : i32 to vector<128x128xi32>
    %and3A_63 = arith.andi %add3A, %and3A_62 : vector<128x128xi32>
    %ne3A_64 = arith.constant 0 : i32
    %ne3A_65 = vector.broadcast %ne3A_64 : i32 to vector<128x128xi32>
    %ne3A_66 = arith.cmpi ne, %and3A_63, %ne3A_65 : vector<128x128xi32>
    %eq3A_67 = arith.xori %ne3A_60, %ne3A_66 : vector<128x128xi1>
    %eq3A_68 = arith.constant dense<true> : vector<128x128xi1>
    %eq3A_69 = arith.xori %eq3A_67, %eq3A_68 : vector<128x128xi1>
    %and3A_70 = arith.andi %eq3A_69, %or3A : vector<128x128xi1>
    %not3A = arith.constant dense<true> : vector<128x128xi1>
    %not3A_71 = arith.xori %eq3A_69, %not3A : vector<128x128xi1>
    %and3A_72 = arith.andi %not3A_71, %or3A_55 : vector<128x128xi1>
    %or3A_73 = arith.ori %and3A_70, %and3A_72 : vector<128x128xi1>
    %select_n3A_74 = arith.select %or3A_73, %select_n3A, %concatenate3A : vector<128x128xi1>, vector<128x128xf32>
    %select_n3A_75 = arith.select %or3A_73, %select_n3A_49, %concatenate3A_26 : vector<128x128xi1>, vector<128x128xf32>
    %scan3A_76 = arith.constant 1 : i32
    %scan3A_77 = arith.constant 0 : i32
    %scan3A_78 = arith.constant 2 : i32
    %scan3A_79 = arith.addi %scan3A_77, %scan3A_78 : i32
    %scan3A_80 = arith.constant 1 : i32
    %scan3A_81:2 = scf.for %scan3A_295 = %scan3A_77 to %scan3A_79 step %scan3A_80 iter_args(%scan3A_296 = %select_n3A_74, %scan3A_297 = %select_n3A_75) -> (vector<128x128xf32>, vector<128x128xf32>)  : i32 {
      %shift_right_arithmetic3A_298 = arith.constant 2 : i32
      %shift_right_arithmetic3A_299 = arith.shrsi %shift_right_arithmetic3A_298, %scan3A_295 : i32
      %sub3A_300 = arith.constant 128 : i32
      %sub3A_301 = arith.subi %sub3A_300, %shift_right_arithmetic3A_299 : i32
      %roll3A_302 = tpu.dynamic_rotate %scan3A_296 by %sub3A_301 dim 1 : vector<128x128xf32>, i32 -> vector<128x128xf32>
      %roll3A_303 = tpu.dynamic_rotate %scan3A_296 by %shift_right_arithmetic3A_299 dim 1 : vector<128x128xf32>, i32 -> vector<128x128xf32>
      %and3A_304 = vector.broadcast %shift_right_arithmetic3A_299 : i32 to vector<128x128xi32>
      %and3A_305 = arith.andi %add3A, %and3A_304 : vector<128x128xi32>
      %ne3A_306 = arith.constant 0 : i32
      %ne3A_307 = vector.broadcast %ne3A_306 : i32 to vector<128x128xi32>
      %ne3A_308 = arith.cmpi ne, %and3A_305, %ne3A_307 : vector<128x128xi32>
      %select_n3A_309 = arith.select %ne3A_308, %roll3A_303, %roll3A_302 : vector<128x128xi1>, vector<128x128xf32>
      %sub3A_310 = arith.constant 128 : i32
      %sub3A_311 = arith.subi %sub3A_310, %shift_right_arithmetic3A_299 : i32
      %roll3A_312 = tpu.dynamic_rotate %scan3A_297 by %sub3A_311 dim 1 : vector<128x128xf32>, i32 -> vector<128x128xf32>
      %roll3A_313 = tpu.dynamic_rotate %scan3A_297 by %shift_right_arithmetic3A_299 dim 1 : vector<128x128xf32>, i32 -> vector<128x128xf32>
      %and3A_314 = vector.broadcast %shift_right_arithmetic3A_299 : i32 to vector<128x128xi32>
      %and3A_315 = arith.andi %add3A, %and3A_314 : vector<128x128xi32>
      %ne3A_316 = arith.constant 0 : i32
      %ne3A_317 = vector.broadcast %ne3A_316 : i32 to vector<128x128xi32>
      %ne3A_318 = arith.cmpi ne, %and3A_315, %ne3A_317 : vector<128x128xi32>
      %select_n3A_319 = arith.select %ne3A_318, %roll3A_313, %roll3A_312 : vector<128x128xi1>, vector<128x128xf32>
      %gt3A_320 = arith.cmpf ogt, %select_n3A_309, %scan3A_296 : vector<128x128xf32>
      %eq3A_321 = arith.cmpf oeq, %select_n3A_309, %scan3A_296 : vector<128x128xf32>
      %lt3A_322 = arith.cmpf olt, %select_n3A_319, %scan3A_297 : vector<128x128xf32>
      %and3A_323 = arith.andi %eq3A_321, %lt3A_322 : vector<128x128xi1>
      %or3A_324 = arith.ori %gt3A_320, %and3A_323 : vector<128x128xi1>
      %gt3A_325 = arith.cmpf ogt, %scan3A_296, %select_n3A_309 : vector<128x128xf32>
      %eq3A_326 = arith.cmpf oeq, %scan3A_296, %select_n3A_309 : vector<128x128xf32>
      %lt3A_327 = arith.cmpf olt, %scan3A_297, %select_n3A_319 : vector<128x128xf32>
      %and3A_328 = arith.andi %eq3A_326, %lt3A_327 : vector<128x128xi1>
      %or3A_329 = arith.ori %gt3A_325, %and3A_328 : vector<128x128xi1>
      %and3A_330 = vector.broadcast %shift_right_arithmetic3A_299 : i32 to vector<128x128xi32>
      %and3A_331 = arith.andi %add3A, %and3A_330 : vector<128x128xi32>
      %ne3A_332 = arith.constant 0 : i32
      %ne3A_333 = vector.broadcast %ne3A_332 : i32 to vector<128x128xi32>
      %ne3A_334 = arith.cmpi ne, %and3A_331, %ne3A_333 : vector<128x128xi32>
      %and3A_335 = arith.constant 4 : i32
      %and3A_336 = vector.broadcast %and3A_335 : i32 to vector<128x128xi32>
      %and3A_337 = arith.andi %add3A, %and3A_336 : vector<128x128xi32>
      %ne3A_338 = arith.constant 0 : i32
      %ne3A_339 = vector.broadcast %ne3A_338 : i32 to vector<128x128xi32>
      %ne3A_340 = arith.cmpi ne, %and3A_337, %ne3A_339 : vector<128x128xi32>
      %eq3A_341 = arith.xori %ne3A_334, %ne3A_340 : vector<128x128xi1>
      %eq3A_342 = arith.constant dense<true> : vector<128x128xi1>
      %eq3A_343 = arith.xori %eq3A_341, %eq3A_342 : vector<128x128xi1>
      %and3A_344 = arith.andi %eq3A_343, %or3A_324 : vector<128x128xi1>
      %not3A_345 = arith.constant dense<true> : vector<128x128xi1>
      %not3A_346 = arith.xori %eq3A_343, %not3A_345 : vector<128x128xi1>
      %and3A_347 = arith.andi %not3A_346, %or3A_329 : vector<128x128xi1>
      %or3A_348 = arith.ori %and3A_344, %and3A_347 : vector<128x128xi1>
      %select_n3A_349 = arith.select %or3A_348, %select_n3A_309, %scan3A_296 : vector<128x128xi1>, vector<128x128xf32>
      %select_n3A_350 = arith.select %or3A_348, %select_n3A_319, %scan3A_297 : vector<128x128xi1>, vector<128x128xf32>
      scf.yield %select_n3A_349, %select_n3A_350 : vector<128x128xf32>, vector<128x128xf32>
    }
    %scan3A_82 = arith.constant 2 : i32
    %scan3A_83 = arith.constant 0 : i32
    %scan3A_84 = arith.constant 3 : i32
    %scan3A_85 = arith.addi %scan3A_83, %scan3A_84 : i32
    %scan3A_86 = arith.constant 1 : i32
    %scan3A_87:2 = scf.for %scan3A_295 = %scan3A_83 to %scan3A_85 step %scan3A_86 iter_args(%scan3A_296 = %scan3A_81#0, %scan3A_297 = %scan3A_81#1) -> (vector<128x128xf32>, vector<128x128xf32>)  : i32 {
      %shift_right_arithmetic3A_298 = arith.constant 4 : i32
      %shift_right_arithmetic3A_299 = arith.shrsi %shift_right_arithmetic3A_298, %scan3A_295 : i32
      %sub3A_300 = arith.constant 128 : i32
      %sub3A_301 = arith.subi %sub3A_300, %shift_right_arithmetic3A_299 : i32
      %roll3A_302 = tpu.dynamic_rotate %scan3A_296 by %sub3A_301 dim 1 : vector<128x128xf32>, i32 -> vector<128x128xf32>
      %roll3A_303 = tpu.dynamic_rotate %scan3A_296 by %shift_right_arithmetic3A_299 dim 1 : vector<128x128xf32>, i32 -> vector<128x128xf32>
      %and3A_304 = vector.broadcast %shift_right_arithmetic3A_299 : i32 to vector<128x128xi32>
      %and3A_305 = arith.andi %add3A, %and3A_304 : vector<128x128xi32>
      %ne3A_306 = arith.constant 0 : i32
      %ne3A_307 = vector.broadcast %ne3A_306 : i32 to vector<128x128xi32>
      %ne3A_308 = arith.cmpi ne, %and3A_305, %ne3A_307 : vector<128x128xi32>
      %select_n3A_309 = arith.select %ne3A_308, %roll3A_303, %roll3A_302 : vector<128x128xi1>, vector<128x128xf32>
      %sub3A_310 = arith.constant 128 : i32
      %sub3A_311 = arith.subi %sub3A_310, %shift_right_arithmetic3A_299 : i32
      %roll3A_312 = tpu.dynamic_rotate %scan3A_297 by %sub3A_311 dim 1 : vector<128x128xf32>, i32 -> vector<128x128xf32>
      %roll3A_313 = tpu.dynamic_rotate %scan3A_297 by %shift_right_arithmetic3A_299 dim 1 : vector<128x128xf32>, i32 -> vector<128x128xf32>
      %and3A_314 = vector.broadcast %shift_right_arithmetic3A_299 : i32 to vector<128x128xi32>
      %and3A_315 = arith.andi %add3A, %and3A_314 : vector<128x128xi32>
      %ne3A_316 = arith.constant 0 : i32
      %ne3A_317 = vector.broadcast %ne3A_316 : i32 to vector<128x128xi32>
      %ne3A_318 = arith.cmpi ne, %and3A_315, %ne3A_317 : vector<128x128xi32>
      %select_n3A_319 = arith.select %ne3A_318, %roll3A_313, %roll3A_312 : vector<128x128xi1>, vector<128x128xf32>
      %gt3A_320 = arith.cmpf ogt, %select_n3A_309, %scan3A_296 : vector<128x128xf32>
      %eq3A_321 = arith.cmpf oeq, %select_n3A_309, %scan3A_296 : vector<128x128xf32>
      %lt3A_322 = arith.cmpf olt, %select_n3A_319, %scan3A_297 : vector<128x128xf32>
      %and3A_323 = arith.andi %eq3A_321, %lt3A_322 : vector<128x128xi1>
      %or3A_324 = arith.ori %gt3A_320, %and3A_323 : vector<128x128xi1>
      %gt3A_325 = arith.cmpf ogt, %scan3A_296, %select_n3A_309 : vector<128x128xf32>
      %eq3A_326 = arith.cmpf oeq, %scan3A_296, %select_n3A_309 : vector<128x128xf32>
      %lt3A_327 = arith.cmpf olt, %scan3A_297, %select_n3A_319 : vector<128x128xf32>
      %and3A_328 = arith.andi %eq3A_326, %lt3A_327 : vector<128x128xi1>
      %or3A_329 = arith.ori %gt3A_325, %and3A_328 : vector<128x128xi1>
      %and3A_330 = vector.broadcast %shift_right_arithmetic3A_299 : i32 to vector<128x128xi32>
      %and3A_331 = arith.andi %add3A, %and3A_330 : vector<128x128xi32>
      %ne3A_332 = arith.constant 0 : i32
      %ne3A_333 = vector.broadcast %ne3A_332 : i32 to vector<128x128xi32>
      %ne3A_334 = arith.cmpi ne, %and3A_331, %ne3A_333 : vector<128x128xi32>
      %and3A_335 = arith.constant 8 : i32
      %and3A_336 = vector.broadcast %and3A_335 : i32 to vector<128x128xi32>
      %and3A_337 = arith.andi %add3A, %and3A_336 : vector<128x128xi32>
      %ne3A_338 = arith.constant 0 : i32
      %ne3A_339 = vector.broadcast %ne3A_338 : i32 to vector<128x128xi32>
      %ne3A_340 = arith.cmpi ne, %and3A_337, %ne3A_339 : vector<128x128xi32>
      %eq3A_341 = arith.xori %ne3A_334, %ne3A_340 : vector<128x128xi1>
      %eq3A_342 = arith.constant dense<true> : vector<128x128xi1>
      %eq3A_343 = arith.xori %eq3A_341, %eq3A_342 : vector<128x128xi1>
      %and3A_344 = arith.andi %eq3A_343, %or3A_324 : vector<128x128xi1>
      %not3A_345 = arith.constant dense<true> : vector<128x128xi1>
      %not3A_346 = arith.xori %eq3A_343, %not3A_345 : vector<128x128xi1>
      %and3A_347 = arith.andi %not3A_346, %or3A_329 : vector<128x128xi1>
      %or3A_348 = arith.ori %and3A_344, %and3A_347 : vector<128x128xi1>
      %select_n3A_349 = arith.select %or3A_348, %select_n3A_309, %scan3A_296 : vector<128x128xi1>, vector<128x128xf32>
      %select_n3A_350 = arith.select %or3A_348, %select_n3A_319, %scan3A_297 : vector<128x128xi1>, vector<128x128xf32>
      scf.yield %select_n3A_349, %select_n3A_350 : vector<128x128xf32>, vector<128x128xf32>
    }
    %scan3A_88 = arith.constant 3 : i32
    %scan3A_89 = arith.constant 0 : i32
    %scan3A_90 = arith.constant 4 : i32
    %scan3A_91 = arith.addi %scan3A_89, %scan3A_90 : i32
    %scan3A_92 = arith.constant 1 : i32
    %scan3A_93:2 = scf.for %scan3A_295 = %scan3A_89 to %scan3A_91 step %scan3A_92 iter_args(%scan3A_296 = %scan3A_87#0, %scan3A_297 = %scan3A_87#1) -> (vector<128x128xf32>, vector<128x128xf32>)  : i32 {
      %shift_right_arithmetic3A_298 = arith.constant 8 : i32
      %shift_right_arithmetic3A_299 = arith.shrsi %shift_right_arithmetic3A_298, %scan3A_295 : i32
      %sub3A_300 = arith.constant 128 : i32
      %sub3A_301 = arith.subi %sub3A_300, %shift_right_arithmetic3A_299 : i32
      %roll3A_302 = tpu.dynamic_rotate %scan3A_296 by %sub3A_301 dim 1 : vector<128x128xf32>, i32 -> vector<128x128xf32>
      %roll3A_303 = tpu.dynamic_rotate %scan3A_296 by %shift_right_arithmetic3A_299 dim 1 : vector<128x128xf32>, i32 -> vector<128x128xf32>
      %and3A_304 = vector.broadcast %shift_right_arithmetic3A_299 : i32 to vector<128x128xi32>
      %and3A_305 = arith.andi %add3A, %and3A_304 : vector<128x128xi32>
      %ne3A_306 = arith.constant 0 : i32
      %ne3A_307 = vector.broadcast %ne3A_306 : i32 to vector<128x128xi32>
      %ne3A_308 = arith.cmpi ne, %and3A_305, %ne3A_307 : vector<128x128xi32>
      %select_n3A_309 = arith.select %ne3A_308, %roll3A_303, %roll3A_302 : vector<128x128xi1>, vector<128x128xf32>
      %sub3A_310 = arith.constant 128 : i32
      %sub3A_311 = arith.subi %sub3A_310, %shift_right_arithmetic3A_299 : i32
      %roll3A_312 = tpu.dynamic_rotate %scan3A_297 by %sub3A_311 dim 1 : vector<128x128xf32>, i32 -> vector<128x128xf32>
      %roll3A_313 = tpu.dynamic_rotate %scan3A_297 by %shift_right_arithmetic3A_299 dim 1 : vector<128x128xf32>, i32 -> vector<128x128xf32>
      %and3A_314 = vector.broadcast %shift_right_arithmetic3A_299 : i32 to vector<128x128xi32>
      %and3A_315 = arith.andi %add3A, %and3A_314 : vector<128x128xi32>
      %ne3A_316 = arith.constant 0 : i32
      %ne3A_317 = vector.broadcast %ne3A_316 : i32 to vector<128x128xi32>
      %ne3A_318 = arith.cmpi ne, %and3A_315, %ne3A_317 : vector<128x128xi32>
      %select_n3A_319 = arith.select %ne3A_318, %roll3A_313, %roll3A_312 : vector<128x128xi1>, vector<128x128xf32>
      %gt3A_320 = arith.cmpf ogt, %select_n3A_309, %scan3A_296 : vector<128x128xf32>
      %eq3A_321 = arith.cmpf oeq, %select_n3A_309, %scan3A_296 : vector<128x128xf32>
      %lt3A_322 = arith.cmpf olt, %select_n3A_319, %scan3A_297 : vector<128x128xf32>
      %and3A_323 = arith.andi %eq3A_321, %lt3A_322 : vector<128x128xi1>
      %or3A_324 = arith.ori %gt3A_320, %and3A_323 : vector<128x128xi1>
      %gt3A_325 = arith.cmpf ogt, %scan3A_296, %select_n3A_309 : vector<128x128xf32>
      %eq3A_326 = arith.cmpf oeq, %scan3A_296, %select_n3A_309 : vector<128x128xf32>
      %lt3A_327 = arith.cmpf olt, %scan3A_297, %select_n3A_319 : vector<128x128xf32>
      %and3A_328 = arith.andi %eq3A_326, %lt3A_327 : vector<128x128xi1>
      %or3A_329 = arith.ori %gt3A_325, %and3A_328 : vector<128x128xi1>
      %and3A_330 = vector.broadcast %shift_right_arithmetic3A_299 : i32 to vector<128x128xi32>
      %and3A_331 = arith.andi %add3A, %and3A_330 : vector<128x128xi32>
      %ne3A_332 = arith.constant 0 : i32
      %ne3A_333 = vector.broadcast %ne3A_332 : i32 to vector<128x128xi32>
      %ne3A_334 = arith.cmpi ne, %and3A_331, %ne3A_333 : vector<128x128xi32>
      %and3A_335 = arith.constant 16 : i32
      %and3A_336 = vector.broadcast %and3A_335 : i32 to vector<128x128xi32>
      %and3A_337 = arith.andi %add3A, %and3A_336 : vector<128x128xi32>
      %ne3A_338 = arith.constant 0 : i32
      %ne3A_339 = vector.broadcast %ne3A_338 : i32 to vector<128x128xi32>
      %ne3A_340 = arith.cmpi ne, %and3A_337, %ne3A_339 : vector<128x128xi32>
      %eq3A_341 = arith.xori %ne3A_334, %ne3A_340 : vector<128x128xi1>
      %eq3A_342 = arith.constant dense<true> : vector<128x128xi1>
      %eq3A_343 = arith.xori %eq3A_341, %eq3A_342 : vector<128x128xi1>
      %and3A_344 = arith.andi %eq3A_343, %or3A_324 : vector<128x128xi1>
      %not3A_345 = arith.constant dense<true> : vector<128x128xi1>
      %not3A_346 = arith.xori %eq3A_343, %not3A_345 : vector<128x128xi1>
      %and3A_347 = arith.andi %not3A_346, %or3A_329 : vector<128x128xi1>
      %or3A_348 = arith.ori %and3A_344, %and3A_347 : vector<128x128xi1>
      %select_n3A_349 = arith.select %or3A_348, %select_n3A_309, %scan3A_296 : vector<128x128xi1>, vector<128x128xf32>
      %select_n3A_350 = arith.select %or3A_348, %select_n3A_319, %scan3A_297 : vector<128x128xi1>, vector<128x128xf32>
      scf.yield %select_n3A_349, %select_n3A_350 : vector<128x128xf32>, vector<128x128xf32>
    }
    %scan3A_94 = arith.constant 4 : i32
    %scan3A_95 = arith.constant 0 : i32
    %scan3A_96 = arith.constant 5 : i32
    %scan3A_97 = arith.addi %scan3A_95, %scan3A_96 : i32
    %scan3A_98 = arith.constant 1 : i32
    %scan3A_99:2 = scf.for %scan3A_295 = %scan3A_95 to %scan3A_97 step %scan3A_98 iter_args(%scan3A_296 = %scan3A_93#0, %scan3A_297 = %scan3A_93#1) -> (vector<128x128xf32>, vector<128x128xf32>)  : i32 {
      %shift_right_arithmetic3A_298 = arith.constant 16 : i32
      %shift_right_arithmetic3A_299 = arith.shrsi %shift_right_arithmetic3A_298, %scan3A_295 : i32
      %sub3A_300 = arith.constant 128 : i32
      %sub3A_301 = arith.subi %sub3A_300, %shift_right_arithmetic3A_299 : i32
      %roll3A_302 = tpu.dynamic_rotate %scan3A_296 by %sub3A_301 dim 1 : vector<128x128xf32>, i32 -> vector<128x128xf32>
      %roll3A_303 = tpu.dynamic_rotate %scan3A_296 by %shift_right_arithmetic3A_299 dim 1 : vector<128x128xf32>, i32 -> vector<128x128xf32>
      %and3A_304 = vector.broadcast %shift_right_arithmetic3A_299 : i32 to vector<128x128xi32>
      %and3A_305 = arith.andi %add3A, %and3A_304 : vector<128x128xi32>
      %ne3A_306 = arith.constant 0 : i32
      %ne3A_307 = vector.broadcast %ne3A_306 : i32 to vector<128x128xi32>
      %ne3A_308 = arith.cmpi ne, %and3A_305, %ne3A_307 : vector<128x128xi32>
      %select_n3A_309 = arith.select %ne3A_308, %roll3A_303, %roll3A_302 : vector<128x128xi1>, vector<128x128xf32>
      %sub3A_310 = arith.constant 128 : i32
      %sub3A_311 = arith.subi %sub3A_310, %shift_right_arithmetic3A_299 : i32
      %roll3A_312 = tpu.dynamic_rotate %scan3A_297 by %sub3A_311 dim 1 : vector<128x128xf32>, i32 -> vector<128x128xf32>
      %roll3A_313 = tpu.dynamic_rotate %scan3A_297 by %shift_right_arithmetic3A_299 dim 1 : vector<128x128xf32>, i32 -> vector<128x128xf32>
      %and3A_314 = vector.broadcast %shift_right_arithmetic3A_299 : i32 to vector<128x128xi32>
      %and3A_315 = arith.andi %add3A, %and3A_314 : vector<128x128xi32>
      %ne3A_316 = arith.constant 0 : i32
      %ne3A_317 = vector.broadcast %ne3A_316 : i32 to vector<128x128xi32>
      %ne3A_318 = arith.cmpi ne, %and3A_315, %ne3A_317 : vector<128x128xi32>
      %select_n3A_319 = arith.select %ne3A_318, %roll3A_313, %roll3A_312 : vector<128x128xi1>, vector<128x128xf32>
      %gt3A_320 = arith.cmpf ogt, %select_n3A_309, %scan3A_296 : vector<128x128xf32>
      %eq3A_321 = arith.cmpf oeq, %select_n3A_309, %scan3A_296 : vector<128x128xf32>
      %lt3A_322 = arith.cmpf olt, %select_n3A_319, %scan3A_297 : vector<128x128xf32>
      %and3A_323 = arith.andi %eq3A_321, %lt3A_322 : vector<128x128xi1>
      %or3A_324 = arith.ori %gt3A_320, %and3A_323 : vector<128x128xi1>
      %gt3A_325 = arith.cmpf ogt, %scan3A_296, %select_n3A_309 : vector<128x128xf32>
      %eq3A_326 = arith.cmpf oeq, %scan3A_296, %select_n3A_309 : vector<128x128xf32>
      %lt3A_327 = arith.cmpf olt, %scan3A_297, %select_n3A_319 : vector<128x128xf32>
      %and3A_328 = arith.andi %eq3A_326, %lt3A_327 : vector<128x128xi1>
      %or3A_329 = arith.ori %gt3A_325, %and3A_328 : vector<128x128xi1>
      %and3A_330 = vector.broadcast %shift_right_arithmetic3A_299 : i32 to vector<128x128xi32>
      %and3A_331 = arith.andi %add3A, %and3A_330 : vector<128x128xi32>
      %ne3A_332 = arith.constant 0 : i32
      %ne3A_333 = vector.broadcast %ne3A_332 : i32 to vector<128x128xi32>
      %ne3A_334 = arith.cmpi ne, %and3A_331, %ne3A_333 : vector<128x128xi32>
      %and3A_335 = arith.constant 32 : i32
      %and3A_336 = vector.broadcast %and3A_335 : i32 to vector<128x128xi32>
      %and3A_337 = arith.andi %add3A, %and3A_336 : vector<128x128xi32>
      %ne3A_338 = arith.constant 0 : i32
      %ne3A_339 = vector.broadcast %ne3A_338 : i32 to vector<128x128xi32>
      %ne3A_340 = arith.cmpi ne, %and3A_337, %ne3A_339 : vector<128x128xi32>
      %eq3A_341 = arith.xori %ne3A_334, %ne3A_340 : vector<128x128xi1>
      %eq3A_342 = arith.constant dense<true> : vector<128x128xi1>
      %eq3A_343 = arith.xori %eq3A_341, %eq3A_342 : vector<128x128xi1>
      %and3A_344 = arith.andi %eq3A_343, %or3A_324 : vector<128x128xi1>
      %not3A_345 = arith.constant dense<true> : vector<128x128xi1>
      %not3A_346 = arith.xori %eq3A_343, %not3A_345 : vector<128x128xi1>
      %and3A_347 = arith.andi %not3A_346, %or3A_329 : vector<128x128xi1>
      %or3A_348 = arith.ori %and3A_344, %and3A_347 : vector<128x128xi1>
      %select_n3A_349 = arith.select %or3A_348, %select_n3A_309, %scan3A_296 : vector<128x128xi1>, vector<128x128xf32>
      %select_n3A_350 = arith.select %or3A_348, %select_n3A_319, %scan3A_297 : vector<128x128xi1>, vector<128x128xf32>
      scf.yield %select_n3A_349, %select_n3A_350 : vector<128x128xf32>, vector<128x128xf32>
    }
    %scan3A_100 = arith.constant 5 : i32
    %scan3A_101 = arith.constant 0 : i32
    %scan3A_102 = arith.constant 6 : i32
    %scan3A_103 = arith.addi %scan3A_101, %scan3A_102 : i32
    %scan3A_104 = arith.constant 1 : i32
    %scan3A_105:2 = scf.for %scan3A_295 = %scan3A_101 to %scan3A_103 step %scan3A_104 iter_args(%scan3A_296 = %scan3A_99#0, %scan3A_297 = %scan3A_99#1) -> (vector<128x128xf32>, vector<128x128xf32>)  : i32 {
      %shift_right_arithmetic3A_298 = arith.constant 32 : i32
      %shift_right_arithmetic3A_299 = arith.shrsi %shift_right_arithmetic3A_298, %scan3A_295 : i32
      %sub3A_300 = arith.constant 128 : i32
      %sub3A_301 = arith.subi %sub3A_300, %shift_right_arithmetic3A_299 : i32
      %roll3A_302 = tpu.dynamic_rotate %scan3A_296 by %sub3A_301 dim 1 : vector<128x128xf32>, i32 -> vector<128x128xf32>
      %roll3A_303 = tpu.dynamic_rotate %scan3A_296 by %shift_right_arithmetic3A_299 dim 1 : vector<128x128xf32>, i32 -> vector<128x128xf32>
      %and3A_304 = vector.broadcast %shift_right_arithmetic3A_299 : i32 to vector<128x128xi32>
      %and3A_305 = arith.andi %add3A, %and3A_304 : vector<128x128xi32>
      %ne3A_306 = arith.constant 0 : i32
      %ne3A_307 = vector.broadcast %ne3A_306 : i32 to vector<128x128xi32>
      %ne3A_308 = arith.cmpi ne, %and3A_305, %ne3A_307 : vector<128x128xi32>
      %select_n3A_309 = arith.select %ne3A_308, %roll3A_303, %roll3A_302 : vector<128x128xi1>, vector<128x128xf32>
      %sub3A_310 = arith.constant 128 : i32
      %sub3A_311 = arith.subi %sub3A_310, %shift_right_arithmetic3A_299 : i32
      %roll3A_312 = tpu.dynamic_rotate %scan3A_297 by %sub3A_311 dim 1 : vector<128x128xf32>, i32 -> vector<128x128xf32>
      %roll3A_313 = tpu.dynamic_rotate %scan3A_297 by %shift_right_arithmetic3A_299 dim 1 : vector<128x128xf32>, i32 -> vector<128x128xf32>
      %and3A_314 = vector.broadcast %shift_right_arithmetic3A_299 : i32 to vector<128x128xi32>
      %and3A_315 = arith.andi %add3A, %and3A_314 : vector<128x128xi32>
      %ne3A_316 = arith.constant 0 : i32
      %ne3A_317 = vector.broadcast %ne3A_316 : i32 to vector<128x128xi32>
      %ne3A_318 = arith.cmpi ne, %and3A_315, %ne3A_317 : vector<128x128xi32>
      %select_n3A_319 = arith.select %ne3A_318, %roll3A_313, %roll3A_312 : vector<128x128xi1>, vector<128x128xf32>
      %gt3A_320 = arith.cmpf ogt, %select_n3A_309, %scan3A_296 : vector<128x128xf32>
      %eq3A_321 = arith.cmpf oeq, %select_n3A_309, %scan3A_296 : vector<128x128xf32>
      %lt3A_322 = arith.cmpf olt, %select_n3A_319, %scan3A_297 : vector<128x128xf32>
      %and3A_323 = arith.andi %eq3A_321, %lt3A_322 : vector<128x128xi1>
      %or3A_324 = arith.ori %gt3A_320, %and3A_323 : vector<128x128xi1>
      %gt3A_325 = arith.cmpf ogt, %scan3A_296, %select_n3A_309 : vector<128x128xf32>
      %eq3A_326 = arith.cmpf oeq, %scan3A_296, %select_n3A_309 : vector<128x128xf32>
      %lt3A_327 = arith.cmpf olt, %scan3A_297, %select_n3A_319 : vector<128x128xf32>
      %and3A_328 = arith.andi %eq3A_326, %lt3A_327 : vector<128x128xi1>
      %or3A_329 = arith.ori %gt3A_325, %and3A_328 : vector<128x128xi1>
      %and3A_330 = vector.broadcast %shift_right_arithmetic3A_299 : i32 to vector<128x128xi32>
      %and3A_331 = arith.andi %add3A, %and3A_330 : vector<128x128xi32>
      %ne3A_332 = arith.constant 0 : i32
      %ne3A_333 = vector.broadcast %ne3A_332 : i32 to vector<128x128xi32>
      %ne3A_334 = arith.cmpi ne, %and3A_331, %ne3A_333 : vector<128x128xi32>
      %and3A_335 = arith.constant 64 : i32
      %and3A_336 = vector.broadcast %and3A_335 : i32 to vector<128x128xi32>
      %and3A_337 = arith.andi %add3A, %and3A_336 : vector<128x128xi32>
      %ne3A_338 = arith.constant 0 : i32
      %ne3A_339 = vector.broadcast %ne3A_338 : i32 to vector<128x128xi32>
      %ne3A_340 = arith.cmpi ne, %and3A_337, %ne3A_339 : vector<128x128xi32>
      %eq3A_341 = arith.xori %ne3A_334, %ne3A_340 : vector<128x128xi1>
      %eq3A_342 = arith.constant dense<true> : vector<128x128xi1>
      %eq3A_343 = arith.xori %eq3A_341, %eq3A_342 : vector<128x128xi1>
      %and3A_344 = arith.andi %eq3A_343, %or3A_324 : vector<128x128xi1>
      %not3A_345 = arith.constant dense<true> : vector<128x128xi1>
      %not3A_346 = arith.xori %eq3A_343, %not3A_345 : vector<128x128xi1>
      %and3A_347 = arith.andi %not3A_346, %or3A_329 : vector<128x128xi1>
      %or3A_348 = arith.ori %and3A_344, %and3A_347 : vector<128x128xi1>
      %select_n3A_349 = arith.select %or3A_348, %select_n3A_309, %scan3A_296 : vector<128x128xi1>, vector<128x128xf32>
      %select_n3A_350 = arith.select %or3A_348, %select_n3A_319, %scan3A_297 : vector<128x128xi1>, vector<128x128xf32>
      scf.yield %select_n3A_349, %select_n3A_350 : vector<128x128xf32>, vector<128x128xf32>
    }
    %scan3A_106 = arith.constant 6 : i32
    %scan3A_107 = arith.constant 0 : i32
    %scan3A_108 = arith.constant 7 : i32
    %scan3A_109 = arith.addi %scan3A_107, %scan3A_108 : i32
    %scan3A_110 = arith.constant 1 : i32
    %scan3A_111:2 = scf.for %scan3A_295 = %scan3A_107 to %scan3A_109 step %scan3A_110 iter_args(%scan3A_296 = %scan3A_105#0, %scan3A_297 = %scan3A_105#1) -> (vector<128x128xf32>, vector<128x128xf32>)  : i32 {
      %shift_right_arithmetic3A_298 = arith.constant 64 : i32
      %shift_right_arithmetic3A_299 = arith.shrsi %shift_right_arithmetic3A_298, %scan3A_295 : i32
      %sub3A_300 = arith.constant 128 : i32
      %sub3A_301 = arith.subi %sub3A_300, %shift_right_arithmetic3A_299 : i32
      %roll3A_302 = tpu.dynamic_rotate %scan3A_296 by %sub3A_301 dim 1 : vector<128x128xf32>, i32 -> vector<128x128xf32>
      %roll3A_303 = tpu.dynamic_rotate %scan3A_296 by %shift_right_arithmetic3A_299 dim 1 : vector<128x128xf32>, i32 -> vector<128x128xf32>
      %and3A_304 = vector.broadcast %shift_right_arithmetic3A_299 : i32 to vector<128x128xi32>
      %and3A_305 = arith.andi %add3A, %and3A_304 : vector<128x128xi32>
      %ne3A_306 = arith.constant 0 : i32
      %ne3A_307 = vector.broadcast %ne3A_306 : i32 to vector<128x128xi32>
      %ne3A_308 = arith.cmpi ne, %and3A_305, %ne3A_307 : vector<128x128xi32>
      %select_n3A_309 = arith.select %ne3A_308, %roll3A_303, %roll3A_302 : vector<128x128xi1>, vector<128x128xf32>
      %sub3A_310 = arith.constant 128 : i32
      %sub3A_311 = arith.subi %sub3A_310, %shift_right_arithmetic3A_299 : i32
      %roll3A_312 = tpu.dynamic_rotate %scan3A_297 by %sub3A_311 dim 1 : vector<128x128xf32>, i32 -> vector<128x128xf32>
      %roll3A_313 = tpu.dynamic_rotate %scan3A_297 by %shift_right_arithmetic3A_299 dim 1 : vector<128x128xf32>, i32 -> vector<128x128xf32>
      %and3A_314 = vector.broadcast %shift_right_arithmetic3A_299 : i32 to vector<128x128xi32>
      %and3A_315 = arith.andi %add3A, %and3A_314 : vector<128x128xi32>
      %ne3A_316 = arith.constant 0 : i32
      %ne3A_317 = vector.broadcast %ne3A_316 : i32 to vector<128x128xi32>
      %ne3A_318 = arith.cmpi ne, %and3A_315, %ne3A_317 : vector<128x128xi32>
      %select_n3A_319 = arith.select %ne3A_318, %roll3A_313, %roll3A_312 : vector<128x128xi1>, vector<128x128xf32>
      %gt3A_320 = arith.cmpf ogt, %select_n3A_309, %scan3A_296 : vector<128x128xf32>
      %eq3A_321 = arith.cmpf oeq, %select_n3A_309, %scan3A_296 : vector<128x128xf32>
      %lt3A_322 = arith.cmpf olt, %select_n3A_319, %scan3A_297 : vector<128x128xf32>
      %and3A_323 = arith.andi %eq3A_321, %lt3A_322 : vector<128x128xi1>
      %or3A_324 = arith.ori %gt3A_320, %and3A_323 : vector<128x128xi1>
      %gt3A_325 = arith.cmpf ogt, %scan3A_296, %select_n3A_309 : vector<128x128xf32>
      %eq3A_326 = arith.cmpf oeq, %scan3A_296, %select_n3A_309 : vector<128x128xf32>
      %lt3A_327 = arith.cmpf olt, %scan3A_297, %select_n3A_319 : vector<128x128xf32>
      %and3A_328 = arith.andi %eq3A_326, %lt3A_327 : vector<128x128xi1>
      %or3A_329 = arith.ori %gt3A_325, %and3A_328 : vector<128x128xi1>
      %and3A_330 = vector.broadcast %shift_right_arithmetic3A_299 : i32 to vector<128x128xi32>
      %and3A_331 = arith.andi %add3A, %and3A_330 : vector<128x128xi32>
      %ne3A_332 = arith.constant 0 : i32
      %ne3A_333 = vector.broadcast %ne3A_332 : i32 to vector<128x128xi32>
      %ne3A_334 = arith.cmpi ne, %and3A_331, %ne3A_333 : vector<128x128xi32>
      %and3A_335 = arith.constant 128 : i32
      %and3A_336 = vector.broadcast %and3A_335 : i32 to vector<128x128xi32>
      %and3A_337 = arith.andi %add3A, %and3A_336 : vector<128x128xi32>
      %ne3A_338 = arith.constant 0 : i32
      %ne3A_339 = vector.broadcast %ne3A_338 : i32 to vector<128x128xi32>
      %ne3A_340 = arith.cmpi ne, %and3A_337, %ne3A_339 : vector<128x128xi32>
      %eq3A_341 = arith.xori %ne3A_334, %ne3A_340 : vector<128x128xi1>
      %eq3A_342 = arith.constant dense<true> : vector<128x128xi1>
      %eq3A_343 = arith.xori %eq3A_341, %eq3A_342 : vector<128x128xi1>
      %and3A_344 = arith.andi %eq3A_343, %or3A_324 : vector<128x128xi1>
      %not3A_345 = arith.constant dense<true> : vector<128x128xi1>
      %not3A_346 = arith.xori %eq3A_343, %not3A_345 : vector<128x128xi1>
      %and3A_347 = arith.andi %not3A_346, %or3A_329 : vector<128x128xi1>
      %or3A_348 = arith.ori %and3A_344, %and3A_347 : vector<128x128xi1>
      %select_n3A_349 = arith.select %or3A_348, %select_n3A_309, %scan3A_296 : vector<128x128xi1>, vector<128x128xf32>
      %select_n3A_350 = arith.select %or3A_348, %select_n3A_319, %scan3A_297 : vector<128x128xi1>, vector<128x128xf32>
      scf.yield %select_n3A_349, %select_n3A_350 : vector<128x128xf32>, vector<128x128xf32>
    }
    %scan3A_112 = arith.constant 7 : i32
    %scan3A_113 = arith.constant 0 : i32
    %shift_right_arithmetic3A_114 = arith.constant 128 : i32
    %shift_right_arithmetic3A_115 = arith.shrsi %shift_right_arithmetic3A_114, %scan3A_113 : i32
    %jit3A = arith.constant 128 : i32
    %div3A = arith.divsi %shift_right_arithmetic3A_115, %jit3A : i32
    %sign3A = arith.constant 0 : i32
    %sign3A_116 = arith.cmpi sgt, %shift_right_arithmetic3A_115, %sign3A : i32
    %sign3A_117 = arith.extui %sign3A_116 : i1 to i32
    %sign3A_118 = arith.constant 0 : i32
    %sign3A_119 = arith.cmpi slt, %shift_right_arithmetic3A_115, %sign3A_118 : i32
    %sign3A_120 = arith.extui %sign3A_119 : i1 to i32
    %sign3A_121 = arith.subi %sign3A_117, %sign3A_120 : i32
    %sign3A_122 = arith.constant 0 : i32
    %sign3A_123 = arith.cmpi sgt, %jit3A, %sign3A_122 : i32
    %sign3A_124 = arith.extui %sign3A_123 : i1 to i32
    %sign3A_125 = arith.constant 0 : i32
    %sign3A_126 = arith.cmpi slt, %jit3A, %sign3A_125 : i32
    %sign3A_127 = arith.extui %sign3A_126 : i1 to i32
    %sign3A_128 = arith.subi %sign3A_124, %sign3A_127 : i32
    %ne3A_129 = arith.cmpi ne, %sign3A_121, %sign3A_128 : i32
    %rem3A = arith.remsi %shift_right_arithmetic3A_115, %jit3A : i32
    %ne3A_130 = arith.constant 0 : i32
    %ne3A_131 = arith.cmpi ne, %rem3A, %ne3A_130 : i32
    %and3A_132 = arith.andi %ne3A_129, %ne3A_131 : i1
    %sub3A_133 = arith.constant 1 : i32
    %sub3A_134 = arith.subi %div3A, %sub3A_133 : i32
    %select_n3A_135 = arith.select %and3A_132, %sub3A_134, %div3A : i32
    %sub3A_136 = arith.constant 128 : i32
    %sub3A_137 = arith.subi %sub3A_136, %select_n3A_135 : i32
    %roll3A_138 = tpu.dynamic_rotate %scan3A_111#0 by %sub3A_137 dim 0 : vector<128x128xf32>, i32 -> vector<128x128xf32>
    %roll3A_139 = tpu.dynamic_rotate %scan3A_111#0 by %select_n3A_135 dim 0 : vector<128x128xf32>, i32 -> vector<128x128xf32>
    %and3A_140 = vector.broadcast %shift_right_arithmetic3A_115 : i32 to vector<128x128xi32>
    %and3A_141 = arith.andi %add3A, %and3A_140 : vector<128x128xi32>
    %ne3A_142 = arith.constant 0 : i32
    %ne3A_143 = vector.broadcast %ne3A_142 : i32 to vector<128x128xi32>
    %ne3A_144 = arith.cmpi ne, %and3A_141, %ne3A_143 : vector<128x128xi32>
    %select_n3A_145 = arith.select %ne3A_144, %roll3A_139, %roll3A_138 : vector<128x128xi1>, vector<128x128xf32>
    %jit3A_146 = arith.constant 128 : i32
    %div3A_147 = arith.divsi %shift_right_arithmetic3A_115, %jit3A_146 : i32
    %sign3A_148 = arith.constant 0 : i32
    %sign3A_149 = arith.cmpi sgt, %shift_right_arithmetic3A_115, %sign3A_148 : i32
    %sign3A_150 = arith.extui %sign3A_149 : i1 to i32
    %sign3A_151 = arith.constant 0 : i32
    %sign3A_152 = arith.cmpi slt, %shift_right_arithmetic3A_115, %sign3A_151 : i32
    %sign3A_153 = arith.extui %sign3A_152 : i1 to i32
    %sign3A_154 = arith.subi %sign3A_150, %sign3A_153 : i32
    %sign3A_155 = arith.constant 0 : i32
    %sign3A_156 = arith.cmpi sgt, %jit3A_146, %sign3A_155 : i32
    %sign3A_157 = arith.extui %sign3A_156 : i1 to i32
    %sign3A_158 = arith.constant 0 : i32
    %sign3A_159 = arith.cmpi slt, %jit3A_146, %sign3A_158 : i32
    %sign3A_160 = arith.extui %sign3A_159 : i1 to i32
    %sign3A_161 = arith.subi %sign3A_157, %sign3A_160 : i32
    %ne3A_162 = arith.cmpi ne, %sign3A_154, %sign3A_161 : i32
    %rem3A_163 = arith.remsi %shift_right_arithmetic3A_115, %jit3A_146 : i32
    %ne3A_164 = arith.constant 0 : i32
    %ne3A_165 = arith.cmpi ne, %rem3A_163, %ne3A_164 : i32
    %and3A_166 = arith.andi %ne3A_162, %ne3A_165 : i1
    %sub3A_167 = arith.constant 1 : i32
    %sub3A_168 = arith.subi %div3A_147, %sub3A_167 : i32
    %select_n3A_169 = arith.select %and3A_166, %sub3A_168, %div3A_147 : i32
    %sub3A_170 = arith.constant 128 : i32
    %sub3A_171 = arith.subi %sub3A_170, %select_n3A_169 : i32
    %roll3A_172 = tpu.dynamic_rotate %scan3A_111#1 by %sub3A_171 dim 0 : vector<128x128xf32>, i32 -> vector<128x128xf32>
    %roll3A_173 = tpu.dynamic_rotate %scan3A_111#1 by %select_n3A_169 dim 0 : vector<128x128xf32>, i32 -> vector<128x128xf32>
    %and3A_174 = vector.broadcast %shift_right_arithmetic3A_115 : i32 to vector<128x128xi32>
    %and3A_175 = arith.andi %add3A, %and3A_174 : vector<128x128xi32>
    %ne3A_176 = arith.constant 0 : i32
    %ne3A_177 = vector.broadcast %ne3A_176 : i32 to vector<128x128xi32>
    %ne3A_178 = arith.cmpi ne, %and3A_175, %ne3A_177 : vector<128x128xi32>
    %select_n3A_179 = arith.select %ne3A_178, %roll3A_173, %roll3A_172 : vector<128x128xi1>, vector<128x128xf32>
    %gt3A_180 = arith.cmpf ogt, %select_n3A_145, %scan3A_111#0 : vector<128x128xf32>
    %eq3A_181 = arith.cmpf oeq, %select_n3A_145, %scan3A_111#0 : vector<128x128xf32>
    %lt3A_182 = arith.cmpf olt, %select_n3A_179, %scan3A_111#1 : vector<128x128xf32>
    %and3A_183 = arith.andi %eq3A_181, %lt3A_182 : vector<128x128xi1>
    %or3A_184 = arith.ori %gt3A_180, %and3A_183 : vector<128x128xi1>
    %gt3A_185 = arith.cmpf ogt, %scan3A_111#0, %select_n3A_145 : vector<128x128xf32>
    %eq3A_186 = arith.cmpf oeq, %scan3A_111#0, %select_n3A_145 : vector<128x128xf32>
    %lt3A_187 = arith.cmpf olt, %scan3A_111#1, %select_n3A_179 : vector<128x128xf32>
    %and3A_188 = arith.andi %eq3A_186, %lt3A_187 : vector<128x128xi1>
    %or3A_189 = arith.ori %gt3A_185, %and3A_188 : vector<128x128xi1>
    %and3A_190 = vector.broadcast %shift_right_arithmetic3A_115 : i32 to vector<128x128xi32>
    %and3A_191 = arith.andi %add3A, %and3A_190 : vector<128x128xi32>
    %ne3A_192 = arith.constant 0 : i32
    %ne3A_193 = vector.broadcast %ne3A_192 : i32 to vector<128x128xi32>
    %ne3A_194 = arith.cmpi ne, %and3A_191, %ne3A_193 : vector<128x128xi32>
    %and3A_195 = arith.constant 256 : i32
    %and3A_196 = vector.broadcast %and3A_195 : i32 to vector<128x128xi32>
    %and3A_197 = arith.andi %add3A, %and3A_196 : vector<128x128xi32>
    %ne3A_198 = arith.constant 0 : i32
    %ne3A_199 = vector.broadcast %ne3A_198 : i32 to vector<128x128xi32>
    %ne3A_200 = arith.cmpi ne, %and3A_197, %ne3A_199 : vector<128x128xi32>
    %eq3A_201 = arith.xori %ne3A_194, %ne3A_200 : vector<128x128xi1>
    %eq3A_202 = arith.constant dense<true> : vector<128x128xi1>
    %eq3A_203 = arith.xori %eq3A_201, %eq3A_202 : vector<128x128xi1>
    %and3A_204 = arith.andi %eq3A_203, %or3A_184 : vector<128x128xi1>
    %not3A_205 = arith.constant dense<true> : vector<128x128xi1>
    %not3A_206 = arith.xori %eq3A_203, %not3A_205 : vector<128x128xi1>
    %and3A_207 = arith.andi %not3A_206, %or3A_189 : vector<128x128xi1>
    %or3A_208 = arith.ori %and3A_204, %and3A_207 : vector<128x128xi1>
    %select_n3A_209 = arith.select %or3A_208, %select_n3A_145, %scan3A_111#0 : vector<128x128xi1>, vector<128x128xf32>
    %select_n3A_210 = arith.select %or3A_208, %select_n3A_179, %scan3A_111#1 : vector<128x128xi1>, vector<128x128xf32>
    %scan3A_211 = arith.constant 1 : i32
    %scan3A_212 = arith.constant 0 : i32
    %scan3A_213 = arith.constant 7 : i32
    %scan3A_214 = arith.addi %scan3A_212, %scan3A_213 : i32
    %scan3A_215 = arith.constant 1 : i32
    %scan3A_216:2 = scf.for %scan3A_295 = %scan3A_212 to %scan3A_214 step %scan3A_215 iter_args(%scan3A_296 = %select_n3A_209, %scan3A_297 = %select_n3A_210) -> (vector<128x128xf32>, vector<128x128xf32>)  : i32 {
      %shift_right_arithmetic3A_298 = arith.constant 64 : i32
      %shift_right_arithmetic3A_299 = arith.shrsi %shift_right_arithmetic3A_298, %scan3A_295 : i32
      %sub3A_300 = arith.constant 128 : i32
      %sub3A_301 = arith.subi %sub3A_300, %shift_right_arithmetic3A_299 : i32
      %roll3A_302 = tpu.dynamic_rotate %scan3A_296 by %sub3A_301 dim 1 : vector<128x128xf32>, i32 -> vector<128x128xf32>
      %roll3A_303 = tpu.dynamic_rotate %scan3A_296 by %shift_right_arithmetic3A_299 dim 1 : vector<128x128xf32>, i32 -> vector<128x128xf32>
      %and3A_304 = vector.broadcast %shift_right_arithmetic3A_299 : i32 to vector<128x128xi32>
      %and3A_305 = arith.andi %add3A, %and3A_304 : vector<128x128xi32>
      %ne3A_306 = arith.constant 0 : i32
      %ne3A_307 = vector.broadcast %ne3A_306 : i32 to vector<128x128xi32>
      %ne3A_308 = arith.cmpi ne, %and3A_305, %ne3A_307 : vector<128x128xi32>
      %select_n3A_309 = arith.select %ne3A_308, %roll3A_303, %roll3A_302 : vector<128x128xi1>, vector<128x128xf32>
      %sub3A_310 = arith.constant 128 : i32
      %sub3A_311 = arith.subi %sub3A_310, %shift_right_arithmetic3A_299 : i32
      %roll3A_312 = tpu.dynamic_rotate %scan3A_297 by %sub3A_311 dim 1 : vector<128x128xf32>, i32 -> vector<128x128xf32>
      %roll3A_313 = tpu.dynamic_rotate %scan3A_297 by %shift_right_arithmetic3A_299 dim 1 : vector<128x128xf32>, i32 -> vector<128x128xf32>
      %and3A_314 = vector.broadcast %shift_right_arithmetic3A_299 : i32 to vector<128x128xi32>
      %and3A_315 = arith.andi %add3A, %and3A_314 : vector<128x128xi32>
      %ne3A_316 = arith.constant 0 : i32
      %ne3A_317 = vector.broadcast %ne3A_316 : i32 to vector<128x128xi32>
      %ne3A_318 = arith.cmpi ne, %and3A_315, %ne3A_317 : vector<128x128xi32>
      %select_n3A_319 = arith.select %ne3A_318, %roll3A_313, %roll3A_312 : vector<128x128xi1>, vector<128x128xf32>
      %gt3A_320 = arith.cmpf ogt, %select_n3A_309, %scan3A_296 : vector<128x128xf32>
      %eq3A_321 = arith.cmpf oeq, %select_n3A_309, %scan3A_296 : vector<128x128xf32>
      %lt3A_322 = arith.cmpf olt, %select_n3A_319, %scan3A_297 : vector<128x128xf32>
      %and3A_323 = arith.andi %eq3A_321, %lt3A_322 : vector<128x128xi1>
      %or3A_324 = arith.ori %gt3A_320, %and3A_323 : vector<128x128xi1>
      %gt3A_325 = arith.cmpf ogt, %scan3A_296, %select_n3A_309 : vector<128x128xf32>
      %eq3A_326 = arith.cmpf oeq, %scan3A_296, %select_n3A_309 : vector<128x128xf32>
      %lt3A_327 = arith.cmpf olt, %scan3A_297, %select_n3A_319 : vector<128x128xf32>
      %and3A_328 = arith.andi %eq3A_326, %lt3A_327 : vector<128x128xi1>
      %or3A_329 = arith.ori %gt3A_325, %and3A_328 : vector<128x128xi1>
      %and3A_330 = vector.broadcast %shift_right_arithmetic3A_299 : i32 to vector<128x128xi32>
      %and3A_331 = arith.andi %add3A, %and3A_330 : vector<128x128xi32>
      %ne3A_332 = arith.constant 0 : i32
      %ne3A_333 = vector.broadcast %ne3A_332 : i32 to vector<128x128xi32>
      %ne3A_334 = arith.cmpi ne, %and3A_331, %ne3A_333 : vector<128x128xi32>
      %and3A_335 = arith.constant 256 : i32
      %and3A_336 = vector.broadcast %and3A_335 : i32 to vector<128x128xi32>
      %and3A_337 = arith.andi %add3A, %and3A_336 : vector<128x128xi32>
      %ne3A_338 = arith.constant 0 : i32
      %ne3A_339 = vector.broadcast %ne3A_338 : i32 to vector<128x128xi32>
      %ne3A_340 = arith.cmpi ne, %and3A_337, %ne3A_339 : vector<128x128xi32>
      %eq3A_341 = arith.xori %ne3A_334, %ne3A_340 : vector<128x128xi1>
      %eq3A_342 = arith.constant dense<true> : vector<128x128xi1>
      %eq3A_343 = arith.xori %eq3A_341, %eq3A_342 : vector<128x128xi1>
      %and3A_344 = arith.andi %eq3A_343, %or3A_324 : vector<128x128xi1>
      %not3A_345 = arith.constant dense<true> : vector<128x128xi1>
      %not3A_346 = arith.xori %eq3A_343, %not3A_345 : vector<128x128xi1>
      %and3A_347 = arith.andi %not3A_346, %or3A_329 : vector<128x128xi1>
      %or3A_348 = arith.ori %and3A_344, %and3A_347 : vector<128x128xi1>
      %select_n3A_349 = arith.select %or3A_348, %select_n3A_309, %scan3A_296 : vector<128x128xi1>, vector<128x128xf32>
      %select_n3A_350 = arith.select %or3A_348, %select_n3A_319, %scan3A_297 : vector<128x128xi1>, vector<128x128xf32>
      scf.yield %select_n3A_349, %select_n3A_350 : vector<128x128xf32>, vector<128x128xf32>
    }
    %scan3A_217 = arith.constant 7 : i32
    %scan3A_218 = arith.constant 0 : i32
    %scan3A_219 = arith.constant 2 : i32
    %scan3A_220 = arith.addi %scan3A_218, %scan3A_219 : i32
    %scan3A_221 = arith.constant 1 : i32
    %scan3A_222:2 = scf.for %scan3A_295 = %scan3A_218 to %scan3A_220 step %scan3A_221 iter_args(%scan3A_296 = %scan3A_216#0, %scan3A_297 = %scan3A_216#1) -> (vector<128x128xf32>, vector<128x128xf32>)  : i32 {
      %shift_right_arithmetic3A_298 = arith.constant 256 : i32
      %shift_right_arithmetic3A_299 = arith.shrsi %shift_right_arithmetic3A_298, %scan3A_295 : i32
      %jit3A_300 = arith.constant 128 : i32
      %div3A_301 = arith.divsi %shift_right_arithmetic3A_299, %jit3A_300 : i32
      %sign3A_302 = arith.constant 0 : i32
      %sign3A_303 = arith.cmpi sgt, %shift_right_arithmetic3A_299, %sign3A_302 : i32
      %sign3A_304 = arith.extui %sign3A_303 : i1 to i32
      %sign3A_305 = arith.constant 0 : i32
      %sign3A_306 = arith.cmpi slt, %shift_right_arithmetic3A_299, %sign3A_305 : i32
      %sign3A_307 = arith.extui %sign3A_306 : i1 to i32
      %sign3A_308 = arith.subi %sign3A_304, %sign3A_307 : i32
      %sign3A_309 = arith.constant 0 : i32
      %sign3A_310 = arith.cmpi sgt, %jit3A_300, %sign3A_309 : i32
      %sign3A_311 = arith.extui %sign3A_310 : i1 to i32
      %sign3A_312 = arith.constant 0 : i32
      %sign3A_313 = arith.cmpi slt, %jit3A_300, %sign3A_312 : i32
      %sign3A_314 = arith.extui %sign3A_313 : i1 to i32
      %sign3A_315 = arith.subi %sign3A_311, %sign3A_314 : i32
      %ne3A_316 = arith.cmpi ne, %sign3A_308, %sign3A_315 : i32
      %rem3A_317 = arith.remsi %shift_right_arithmetic3A_299, %jit3A_300 : i32
      %ne3A_318 = arith.constant 0 : i32
      %ne3A_319 = arith.cmpi ne, %rem3A_317, %ne3A_318 : i32
      %and3A_320 = arith.andi %ne3A_316, %ne3A_319 : i1
      %sub3A_321 = arith.constant 1 : i32
      %sub3A_322 = arith.subi %div3A_301, %sub3A_321 : i32
      %select_n3A_323 = arith.select %and3A_320, %sub3A_322, %div3A_301 : i32
      %sub3A_324 = arith.constant 128 : i32
      %sub3A_325 = arith.subi %sub3A_324, %select_n3A_323 : i32
      %roll3A_326 = tpu.dynamic_rotate %scan3A_296 by %sub3A_325 dim 0 : vector<128x128xf32>, i32 -> vector<128x128xf32>
      %roll3A_327 = tpu.dynamic_rotate %scan3A_296 by %select_n3A_323 dim 0 : vector<128x128xf32>, i32 -> vector<128x128xf32>
      %and3A_328 = vector.broadcast %shift_right_arithmetic3A_299 : i32 to vector<128x128xi32>
      %and3A_329 = arith.andi %add3A, %and3A_328 : vector<128x128xi32>
      %ne3A_330 = arith.constant 0 : i32
      %ne3A_331 = vector.broadcast %ne3A_330 : i32 to vector<128x128xi32>
      %ne3A_332 = arith.cmpi ne, %and3A_329, %ne3A_331 : vector<128x128xi32>
      %select_n3A_333 = arith.select %ne3A_332, %roll3A_327, %roll3A_326 : vector<128x128xi1>, vector<128x128xf32>
      %jit3A_334 = arith.constant 128 : i32
      %div3A_335 = arith.divsi %shift_right_arithmetic3A_299, %jit3A_334 : i32
      %sign3A_336 = arith.constant 0 : i32
      %sign3A_337 = arith.cmpi sgt, %shift_right_arithmetic3A_299, %sign3A_336 : i32
      %sign3A_338 = arith.extui %sign3A_337 : i1 to i32
      %sign3A_339 = arith.constant 0 : i32
      %sign3A_340 = arith.cmpi slt, %shift_right_arithmetic3A_299, %sign3A_339 : i32
      %sign3A_341 = arith.extui %sign3A_340 : i1 to i32
      %sign3A_342 = arith.subi %sign3A_338, %sign3A_341 : i32
      %sign3A_343 = arith.constant 0 : i32
      %sign3A_344 = arith.cmpi sgt, %jit3A_334, %sign3A_343 : i32
      %sign3A_345 = arith.extui %sign3A_344 : i1 to i32
      %sign3A_346 = arith.constant 0 : i32
      %sign3A_347 = arith.cmpi slt, %jit3A_334, %sign3A_346 : i32
      %sign3A_348 = arith.extui %sign3A_347 : i1 to i32
      %sign3A_349 = arith.subi %sign3A_345, %sign3A_348 : i32
      %ne3A_350 = arith.cmpi ne, %sign3A_342, %sign3A_349 : i32
      %rem3A_351 = arith.remsi %shift_right_arithmetic3A_299, %jit3A_334 : i32
      %ne3A_352 = arith.constant 0 : i32
      %ne3A_353 = arith.cmpi ne, %rem3A_351, %ne3A_352 : i32
      %and3A_354 = arith.andi %ne3A_350, %ne3A_353 : i1
      %sub3A_355 = arith.constant 1 : i32
      %sub3A_356 = arith.subi %div3A_335, %sub3A_355 : i32
      %select_n3A_357 = arith.select %and3A_354, %sub3A_356, %div3A_335 : i32
      %sub3A_358 = arith.constant 128 : i32
      %sub3A_359 = arith.subi %sub3A_358, %select_n3A_357 : i32
      %roll3A_360 = tpu.dynamic_rotate %scan3A_297 by %sub3A_359 dim 0 : vector<128x128xf32>, i32 -> vector<128x128xf32>
      %roll3A_361 = tpu.dynamic_rotate %scan3A_297 by %select_n3A_357 dim 0 : vector<128x128xf32>, i32 -> vector<128x128xf32>
      %and3A_362 = vector.broadcast %shift_right_arithmetic3A_299 : i32 to vector<128x128xi32>
      %and3A_363 = arith.andi %add3A, %and3A_362 : vector<128x128xi32>
      %ne3A_364 = arith.constant 0 : i32
      %ne3A_365 = vector.broadcast %ne3A_364 : i32 to vector<128x128xi32>
      %ne3A_366 = arith.cmpi ne, %and3A_363, %ne3A_365 : vector<128x128xi32>
      %select_n3A_367 = arith.select %ne3A_366, %roll3A_361, %roll3A_360 : vector<128x128xi1>, vector<128x128xf32>
      %gt3A_368 = arith.cmpf ogt, %select_n3A_333, %scan3A_296 : vector<128x128xf32>
      %eq3A_369 = arith.cmpf oeq, %select_n3A_333, %scan3A_296 : vector<128x128xf32>
      %lt3A_370 = arith.cmpf olt, %select_n3A_367, %scan3A_297 : vector<128x128xf32>
      %and3A_371 = arith.andi %eq3A_369, %lt3A_370 : vector<128x128xi1>
      %or3A_372 = arith.ori %gt3A_368, %and3A_371 : vector<128x128xi1>
      %gt3A_373 = arith.cmpf ogt, %scan3A_296, %select_n3A_333 : vector<128x128xf32>
      %eq3A_374 = arith.cmpf oeq, %scan3A_296, %select_n3A_333 : vector<128x128xf32>
      %lt3A_375 = arith.cmpf olt, %scan3A_297, %select_n3A_367 : vector<128x128xf32>
      %and3A_376 = arith.andi %eq3A_374, %lt3A_375 : vector<128x128xi1>
      %or3A_377 = arith.ori %gt3A_373, %and3A_376 : vector<128x128xi1>
      %and3A_378 = vector.broadcast %shift_right_arithmetic3A_299 : i32 to vector<128x128xi32>
      %and3A_379 = arith.andi %add3A, %and3A_378 : vector<128x128xi32>
      %ne3A_380 = arith.constant 0 : i32
      %ne3A_381 = vector.broadcast %ne3A_380 : i32 to vector<128x128xi32>
      %ne3A_382 = arith.cmpi ne, %and3A_379, %ne3A_381 : vector<128x128xi32>
      %and3A_383 = arith.constant 512 : i32
      %and3A_384 = vector.broadcast %and3A_383 : i32 to vector<128x128xi32>
      %and3A_385 = arith.andi %add3A, %and3A_384 : vector<128x128xi32>
      %ne3A_386 = arith.constant 0 : i32
      %ne3A_387 = vector.broadcast %ne3A_386 : i32 to vector<128x128xi32>
      %ne3A_388 = arith.cmpi ne, %and3A_385, %ne3A_387 : vector<128x128xi32>
      %eq3A_389 = arith.xori %ne3A_382, %ne3A_388 : vector<128x128xi1>
      %eq3A_390 = arith.constant dense<true> : vector<128x128xi1>
      %eq3A_391 = arith.xori %eq3A_389, %eq3A_390 : vector<128x128xi1>
      %and3A_392 = arith.andi %eq3A_391, %or3A_372 : vector<128x128xi1>
      %not3A_393 = arith.constant dense<true> : vector<128x128xi1>
      %not3A_394 = arith.xori %eq3A_391, %not3A_393 : vector<128x128xi1>
      %and3A_395 = arith.andi %not3A_394, %or3A_377 : vector<128x128xi1>
      %or3A_396 = arith.ori %and3A_392, %and3A_395 : vector<128x128xi1>
      %select_n3A_397 = arith.select %or3A_396, %select_n3A_333, %scan3A_296 : vector<128x128xi1>, vector<128x128xf32>
      %select_n3A_398 = arith.select %or3A_396, %select_n3A_367, %scan3A_297 : vector<128x128xi1>, vector<128x128xf32>
      scf.yield %select_n3A_397, %select_n3A_398 : vector<128x128xf32>, vector<128x128xf32>
    }
    %scan3A_223 = arith.constant 2 : i32
    %scan3A_224 = arith.constant 0 : i32
    %scan3A_225 = arith.constant 7 : i32
    %scan3A_226 = arith.addi %scan3A_224, %scan3A_225 : i32
    %scan3A_227 = arith.constant 1 : i32
    %scan3A_228:2 = scf.for %scan3A_295 = %scan3A_224 to %scan3A_226 step %scan3A_227 iter_args(%scan3A_296 = %scan3A_222#0, %scan3A_297 = %scan3A_222#1) -> (vector<128x128xf32>, vector<128x128xf32>)  : i32 {
      %shift_right_arithmetic3A_298 = arith.constant 64 : i32
      %shift_right_arithmetic3A_299 = arith.shrsi %shift_right_arithmetic3A_298, %scan3A_295 : i32
      %sub3A_300 = arith.constant 128 : i32
      %sub3A_301 = arith.subi %sub3A_300, %shift_right_arithmetic3A_299 : i32
      %roll3A_302 = tpu.dynamic_rotate %scan3A_296 by %sub3A_301 dim 1 : vector<128x128xf32>, i32 -> vector<128x128xf32>
      %roll3A_303 = tpu.dynamic_rotate %scan3A_296 by %shift_right_arithmetic3A_299 dim 1 : vector<128x128xf32>, i32 -> vector<128x128xf32>
      %and3A_304 = vector.broadcast %shift_right_arithmetic3A_299 : i32 to vector<128x128xi32>
      %and3A_305 = arith.andi %add3A, %and3A_304 : vector<128x128xi32>
      %ne3A_306 = arith.constant 0 : i32
      %ne3A_307 = vector.broadcast %ne3A_306 : i32 to vector<128x128xi32>
      %ne3A_308 = arith.cmpi ne, %and3A_305, %ne3A_307 : vector<128x128xi32>
      %select_n3A_309 = arith.select %ne3A_308, %roll3A_303, %roll3A_302 : vector<128x128xi1>, vector<128x128xf32>
      %sub3A_310 = arith.constant 128 : i32
      %sub3A_311 = arith.subi %sub3A_310, %shift_right_arithmetic3A_299 : i32
      %roll3A_312 = tpu.dynamic_rotate %scan3A_297 by %sub3A_311 dim 1 : vector<128x128xf32>, i32 -> vector<128x128xf32>
      %roll3A_313 = tpu.dynamic_rotate %scan3A_297 by %shift_right_arithmetic3A_299 dim 1 : vector<128x128xf32>, i32 -> vector<128x128xf32>
      %and3A_314 = vector.broadcast %shift_right_arithmetic3A_299 : i32 to vector<128x128xi32>
      %and3A_315 = arith.andi %add3A, %and3A_314 : vector<128x128xi32>
      %ne3A_316 = arith.constant 0 : i32
      %ne3A_317 = vector.broadcast %ne3A_316 : i32 to vector<128x128xi32>
      %ne3A_318 = arith.cmpi ne, %and3A_315, %ne3A_317 : vector<128x128xi32>
      %select_n3A_319 = arith.select %ne3A_318, %roll3A_313, %roll3A_312 : vector<128x128xi1>, vector<128x128xf32>
      %gt3A_320 = arith.cmpf ogt, %select_n3A_309, %scan3A_296 : vector<128x128xf32>
      %eq3A_321 = arith.cmpf oeq, %select_n3A_309, %scan3A_296 : vector<128x128xf32>
      %lt3A_322 = arith.cmpf olt, %select_n3A_319, %scan3A_297 : vector<128x128xf32>
      %and3A_323 = arith.andi %eq3A_321, %lt3A_322 : vector<128x128xi1>
      %or3A_324 = arith.ori %gt3A_320, %and3A_323 : vector<128x128xi1>
      %gt3A_325 = arith.cmpf ogt, %scan3A_296, %select_n3A_309 : vector<128x128xf32>
      %eq3A_326 = arith.cmpf oeq, %scan3A_296, %select_n3A_309 : vector<128x128xf32>
      %lt3A_327 = arith.cmpf olt, %scan3A_297, %select_n3A_319 : vector<128x128xf32>
      %and3A_328 = arith.andi %eq3A_326, %lt3A_327 : vector<128x128xi1>
      %or3A_329 = arith.ori %gt3A_325, %and3A_328 : vector<128x128xi1>
      %and3A_330 = vector.broadcast %shift_right_arithmetic3A_299 : i32 to vector<128x128xi32>
      %and3A_331 = arith.andi %add3A, %and3A_330 : vector<128x128xi32>
      %ne3A_332 = arith.constant 0 : i32
      %ne3A_333 = vector.broadcast %ne3A_332 : i32 to vector<128x128xi32>
      %ne3A_334 = arith.cmpi ne, %and3A_331, %ne3A_333 : vector<128x128xi32>
      %and3A_335 = arith.constant 512 : i32
      %and3A_336 = vector.broadcast %and3A_335 : i32 to vector<128x128xi32>
      %and3A_337 = arith.andi %add3A, %and3A_336 : vector<128x128xi32>
      %ne3A_338 = arith.constant 0 : i32
      %ne3A_339 = vector.broadcast %ne3A_338 : i32 to vector<128x128xi32>
      %ne3A_340 = arith.cmpi ne, %and3A_337, %ne3A_339 : vector<128x128xi32>
      %eq3A_341 = arith.xori %ne3A_334, %ne3A_340 : vector<128x128xi1>
      %eq3A_342 = arith.constant dense<true> : vector<128x128xi1>
      %eq3A_343 = arith.xori %eq3A_341, %eq3A_342 : vector<128x128xi1>
      %and3A_344 = arith.andi %eq3A_343, %or3A_324 : vector<128x128xi1>
      %not3A_345 = arith.constant dense<true> : vector<128x128xi1>
      %not3A_346 = arith.xori %eq3A_343, %not3A_345 : vector<128x128xi1>
      %and3A_347 = arith.andi %not3A_346, %or3A_329 : vector<128x128xi1>
      %or3A_348 = arith.ori %and3A_344, %and3A_347 : vector<128x128xi1>
      %select_n3A_349 = arith.select %or3A_348, %select_n3A_309, %scan3A_296 : vector<128x128xi1>, vector<128x128xf32>
      %select_n3A_350 = arith.select %or3A_348, %select_n3A_319, %scan3A_297 : vector<128x128xi1>, vector<128x128xf32>
      scf.yield %select_n3A_349, %select_n3A_350 : vector<128x128xf32>, vector<128x128xf32>
    }
    %scan3A_229 = arith.constant 7 : i32
    %scan3A_230 = arith.constant 0 : i32
    %scan3A_231 = arith.constant 3 : i32
    %scan3A_232 = arith.addi %scan3A_230, %scan3A_231 : i32
    %scan3A_233 = arith.constant 1 : i32
    %scan3A_234:2 = scf.for %scan3A_295 = %scan3A_230 to %scan3A_232 step %scan3A_233 iter_args(%scan3A_296 = %scan3A_228#0, %scan3A_297 = %scan3A_228#1) -> (vector<128x128xf32>, vector<128x128xf32>)  : i32 {
      %shift_right_arithmetic3A_298 = arith.constant 512 : i32
      %shift_right_arithmetic3A_299 = arith.shrsi %shift_right_arithmetic3A_298, %scan3A_295 : i32
      %jit3A_300 = arith.constant 128 : i32
      %div3A_301 = arith.divsi %shift_right_arithmetic3A_299, %jit3A_300 : i32
      %sign3A_302 = arith.constant 0 : i32
      %sign3A_303 = arith.cmpi sgt, %shift_right_arithmetic3A_299, %sign3A_302 : i32
      %sign3A_304 = arith.extui %sign3A_303 : i1 to i32
      %sign3A_305 = arith.constant 0 : i32
      %sign3A_306 = arith.cmpi slt, %shift_right_arithmetic3A_299, %sign3A_305 : i32
      %sign3A_307 = arith.extui %sign3A_306 : i1 to i32
      %sign3A_308 = arith.subi %sign3A_304, %sign3A_307 : i32
      %sign3A_309 = arith.constant 0 : i32
      %sign3A_310 = arith.cmpi sgt, %jit3A_300, %sign3A_309 : i32
      %sign3A_311 = arith.extui %sign3A_310 : i1 to i32
      %sign3A_312 = arith.constant 0 : i32
      %sign3A_313 = arith.cmpi slt, %jit3A_300, %sign3A_312 : i32
      %sign3A_314 = arith.extui %sign3A_313 : i1 to i32
      %sign3A_315 = arith.subi %sign3A_311, %sign3A_314 : i32
      %ne3A_316 = arith.cmpi ne, %sign3A_308, %sign3A_315 : i32
      %rem3A_317 = arith.remsi %shift_right_arithmetic3A_299, %jit3A_300 : i32
      %ne3A_318 = arith.constant 0 : i32
      %ne3A_319 = arith.cmpi ne, %rem3A_317, %ne3A_318 : i32
      %and3A_320 = arith.andi %ne3A_316, %ne3A_319 : i1
      %sub3A_321 = arith.constant 1 : i32
      %sub3A_322 = arith.subi %div3A_301, %sub3A_321 : i32
      %select_n3A_323 = arith.select %and3A_320, %sub3A_322, %div3A_301 : i32
      %sub3A_324 = arith.constant 128 : i32
      %sub3A_325 = arith.subi %sub3A_324, %select_n3A_323 : i32
      %roll3A_326 = tpu.dynamic_rotate %scan3A_296 by %sub3A_325 dim 0 : vector<128x128xf32>, i32 -> vector<128x128xf32>
      %roll3A_327 = tpu.dynamic_rotate %scan3A_296 by %select_n3A_323 dim 0 : vector<128x128xf32>, i32 -> vector<128x128xf32>
      %and3A_328 = vector.broadcast %shift_right_arithmetic3A_299 : i32 to vector<128x128xi32>
      %and3A_329 = arith.andi %add3A, %and3A_328 : vector<128x128xi32>
      %ne3A_330 = arith.constant 0 : i32
      %ne3A_331 = vector.broadcast %ne3A_330 : i32 to vector<128x128xi32>
      %ne3A_332 = arith.cmpi ne, %and3A_329, %ne3A_331 : vector<128x128xi32>
      %select_n3A_333 = arith.select %ne3A_332, %roll3A_327, %roll3A_326 : vector<128x128xi1>, vector<128x128xf32>
      %jit3A_334 = arith.constant 128 : i32
      %div3A_335 = arith.divsi %shift_right_arithmetic3A_299, %jit3A_334 : i32
      %sign3A_336 = arith.constant 0 : i32
      %sign3A_337 = arith.cmpi sgt, %shift_right_arithmetic3A_299, %sign3A_336 : i32
      %sign3A_338 = arith.extui %sign3A_337 : i1 to i32
      %sign3A_339 = arith.constant 0 : i32
      %sign3A_340 = arith.cmpi slt, %shift_right_arithmetic3A_299, %sign3A_339 : i32
      %sign3A_341 = arith.extui %sign3A_340 : i1 to i32
      %sign3A_342 = arith.subi %sign3A_338, %sign3A_341 : i32
      %sign3A_343 = arith.constant 0 : i32
      %sign3A_344 = arith.cmpi sgt, %jit3A_334, %sign3A_343 : i32
      %sign3A_345 = arith.extui %sign3A_344 : i1 to i32
      %sign3A_346 = arith.constant 0 : i32
      %sign3A_347 = arith.cmpi slt, %jit3A_334, %sign3A_346 : i32
      %sign3A_348 = arith.extui %sign3A_347 : i1 to i32
      %sign3A_349 = arith.subi %sign3A_345, %sign3A_348 : i32
      %ne3A_350 = arith.cmpi ne, %sign3A_342, %sign3A_349 : i32
      %rem3A_351 = arith.remsi %shift_right_arithmetic3A_299, %jit3A_334 : i32
      %ne3A_352 = arith.constant 0 : i32
      %ne3A_353 = arith.cmpi ne, %rem3A_351, %ne3A_352 : i32
      %and3A_354 = arith.andi %ne3A_350, %ne3A_353 : i1
      %sub3A_355 = arith.constant 1 : i32
      %sub3A_356 = arith.subi %div3A_335, %sub3A_355 : i32
      %select_n3A_357 = arith.select %and3A_354, %sub3A_356, %div3A_335 : i32
      %sub3A_358 = arith.constant 128 : i32
      %sub3A_359 = arith.subi %sub3A_358, %select_n3A_357 : i32
      %roll3A_360 = tpu.dynamic_rotate %scan3A_297 by %sub3A_359 dim 0 : vector<128x128xf32>, i32 -> vector<128x128xf32>
      %roll3A_361 = tpu.dynamic_rotate %scan3A_297 by %select_n3A_357 dim 0 : vector<128x128xf32>, i32 -> vector<128x128xf32>
      %and3A_362 = vector.broadcast %shift_right_arithmetic3A_299 : i32 to vector<128x128xi32>
      %and3A_363 = arith.andi %add3A, %and3A_362 : vector<128x128xi32>
      %ne3A_364 = arith.constant 0 : i32
      %ne3A_365 = vector.broadcast %ne3A_364 : i32 to vector<128x128xi32>
      %ne3A_366 = arith.cmpi ne, %and3A_363, %ne3A_365 : vector<128x128xi32>
      %select_n3A_367 = arith.select %ne3A_366, %roll3A_361, %roll3A_360 : vector<128x128xi1>, vector<128x128xf32>
      %gt3A_368 = arith.cmpf ogt, %select_n3A_333, %scan3A_296 : vector<128x128xf32>
      %eq3A_369 = arith.cmpf oeq, %select_n3A_333, %scan3A_296 : vector<128x128xf32>
      %lt3A_370 = arith.cmpf olt, %select_n3A_367, %scan3A_297 : vector<128x128xf32>
      %and3A_371 = arith.andi %eq3A_369, %lt3A_370 : vector<128x128xi1>
      %or3A_372 = arith.ori %gt3A_368, %and3A_371 : vector<128x128xi1>
      %gt3A_373 = arith.cmpf ogt, %scan3A_296, %select_n3A_333 : vector<128x128xf32>
      %eq3A_374 = arith.cmpf oeq, %scan3A_296, %select_n3A_333 : vector<128x128xf32>
      %lt3A_375 = arith.cmpf olt, %scan3A_297, %select_n3A_367 : vector<128x128xf32>
      %and3A_376 = arith.andi %eq3A_374, %lt3A_375 : vector<128x128xi1>
      %or3A_377 = arith.ori %gt3A_373, %and3A_376 : vector<128x128xi1>
      %and3A_378 = vector.broadcast %shift_right_arithmetic3A_299 : i32 to vector<128x128xi32>
      %and3A_379 = arith.andi %add3A, %and3A_378 : vector<128x128xi32>
      %ne3A_380 = arith.constant 0 : i32
      %ne3A_381 = vector.broadcast %ne3A_380 : i32 to vector<128x128xi32>
      %ne3A_382 = arith.cmpi ne, %and3A_379, %ne3A_381 : vector<128x128xi32>
      %and3A_383 = arith.constant 1024 : i32
      %and3A_384 = vector.broadcast %and3A_383 : i32 to vector<128x128xi32>
      %and3A_385 = arith.andi %add3A, %and3A_384 : vector<128x128xi32>
      %ne3A_386 = arith.constant 0 : i32
      %ne3A_387 = vector.broadcast %ne3A_386 : i32 to vector<128x128xi32>
      %ne3A_388 = arith.cmpi ne, %and3A_385, %ne3A_387 : vector<128x128xi32>
      %eq3A_389 = arith.xori %ne3A_382, %ne3A_388 : vector<128x128xi1>
      %eq3A_390 = arith.constant dense<true> : vector<128x128xi1>
      %eq3A_391 = arith.xori %eq3A_389, %eq3A_390 : vector<128x128xi1>
      %and3A_392 = arith.andi %eq3A_391, %or3A_372 : vector<128x128xi1>
      %not3A_393 = arith.constant dense<true> : vector<128x128xi1>
      %not3A_394 = arith.xori %eq3A_391, %not3A_393 : vector<128x128xi1>
      %and3A_395 = arith.andi %not3A_394, %or3A_377 : vector<128x128xi1>
      %or3A_396 = arith.ori %and3A_392, %and3A_395 : vector<128x128xi1>
      %select_n3A_397 = arith.select %or3A_396, %select_n3A_333, %scan3A_296 : vector<128x128xi1>, vector<128x128xf32>
      %select_n3A_398 = arith.select %or3A_396, %select_n3A_367, %scan3A_297 : vector<128x128xi1>, vector<128x128xf32>
      scf.yield %select_n3A_397, %select_n3A_398 : vector<128x128xf32>, vector<128x128xf32>
    }
    %scan3A_235 = arith.constant 3 : i32
    %scan3A_236 = arith.constant 0 : i32
    %scan3A_237 = arith.constant 7 : i32
    %scan3A_238 = arith.addi %scan3A_236, %scan3A_237 : i32
    %scan3A_239 = arith.constant 1 : i32
    %scan3A_240:2 = scf.for %scan3A_295 = %scan3A_236 to %scan3A_238 step %scan3A_239 iter_args(%scan3A_296 = %scan3A_234#0, %scan3A_297 = %scan3A_234#1) -> (vector<128x128xf32>, vector<128x128xf32>)  : i32 {
      %shift_right_arithmetic3A_298 = arith.constant 64 : i32
      %shift_right_arithmetic3A_299 = arith.shrsi %shift_right_arithmetic3A_298, %scan3A_295 : i32
      %sub3A_300 = arith.constant 128 : i32
      %sub3A_301 = arith.subi %sub3A_300, %shift_right_arithmetic3A_299 : i32
      %roll3A_302 = tpu.dynamic_rotate %scan3A_296 by %sub3A_301 dim 1 : vector<128x128xf32>, i32 -> vector<128x128xf32>
      %roll3A_303 = tpu.dynamic_rotate %scan3A_296 by %shift_right_arithmetic3A_299 dim 1 : vector<128x128xf32>, i32 -> vector<128x128xf32>
      %and3A_304 = vector.broadcast %shift_right_arithmetic3A_299 : i32 to vector<128x128xi32>
      %and3A_305 = arith.andi %add3A, %and3A_304 : vector<128x128xi32>
      %ne3A_306 = arith.constant 0 : i32
      %ne3A_307 = vector.broadcast %ne3A_306 : i32 to vector<128x128xi32>
      %ne3A_308 = arith.cmpi ne, %and3A_305, %ne3A_307 : vector<128x128xi32>
      %select_n3A_309 = arith.select %ne3A_308, %roll3A_303, %roll3A_302 : vector<128x128xi1>, vector<128x128xf32>
      %sub3A_310 = arith.constant 128 : i32
      %sub3A_311 = arith.subi %sub3A_310, %shift_right_arithmetic3A_299 : i32
      %roll3A_312 = tpu.dynamic_rotate %scan3A_297 by %sub3A_311 dim 1 : vector<128x128xf32>, i32 -> vector<128x128xf32>
      %roll3A_313 = tpu.dynamic_rotate %scan3A_297 by %shift_right_arithmetic3A_299 dim 1 : vector<128x128xf32>, i32 -> vector<128x128xf32>
      %and3A_314 = vector.broadcast %shift_right_arithmetic3A_299 : i32 to vector<128x128xi32>
      %and3A_315 = arith.andi %add3A, %and3A_314 : vector<128x128xi32>
      %ne3A_316 = arith.constant 0 : i32
      %ne3A_317 = vector.broadcast %ne3A_316 : i32 to vector<128x128xi32>
      %ne3A_318 = arith.cmpi ne, %and3A_315, %ne3A_317 : vector<128x128xi32>
      %select_n3A_319 = arith.select %ne3A_318, %roll3A_313, %roll3A_312 : vector<128x128xi1>, vector<128x128xf32>
      %gt3A_320 = arith.cmpf ogt, %select_n3A_309, %scan3A_296 : vector<128x128xf32>
      %eq3A_321 = arith.cmpf oeq, %select_n3A_309, %scan3A_296 : vector<128x128xf32>
      %lt3A_322 = arith.cmpf olt, %select_n3A_319, %scan3A_297 : vector<128x128xf32>
      %and3A_323 = arith.andi %eq3A_321, %lt3A_322 : vector<128x128xi1>
      %or3A_324 = arith.ori %gt3A_320, %and3A_323 : vector<128x128xi1>
      %gt3A_325 = arith.cmpf ogt, %scan3A_296, %select_n3A_309 : vector<128x128xf32>
      %eq3A_326 = arith.cmpf oeq, %scan3A_296, %select_n3A_309 : vector<128x128xf32>
      %lt3A_327 = arith.cmpf olt, %scan3A_297, %select_n3A_319 : vector<128x128xf32>
      %and3A_328 = arith.andi %eq3A_326, %lt3A_327 : vector<128x128xi1>
      %or3A_329 = arith.ori %gt3A_325, %and3A_328 : vector<128x128xi1>
      %and3A_330 = vector.broadcast %shift_right_arithmetic3A_299 : i32 to vector<128x128xi32>
      %and3A_331 = arith.andi %add3A, %and3A_330 : vector<128x128xi32>
      %ne3A_332 = arith.constant 0 : i32
      %ne3A_333 = vector.broadcast %ne3A_332 : i32 to vector<128x128xi32>
      %ne3A_334 = arith.cmpi ne, %and3A_331, %ne3A_333 : vector<128x128xi32>
      %and3A_335 = arith.constant 1024 : i32
      %and3A_336 = vector.broadcast %and3A_335 : i32 to vector<128x128xi32>
      %and3A_337 = arith.andi %add3A, %and3A_336 : vector<128x128xi32>
      %ne3A_338 = arith.constant 0 : i32
      %ne3A_339 = vector.broadcast %ne3A_338 : i32 to vector<128x128xi32>
      %ne3A_340 = arith.cmpi ne, %and3A_337, %ne3A_339 : vector<128x128xi32>
      %eq3A_341 = arith.xori %ne3A_334, %ne3A_340 : vector<128x128xi1>
      %eq3A_342 = arith.constant dense<true> : vector<128x128xi1>
      %eq3A_343 = arith.xori %eq3A_341, %eq3A_342 : vector<128x128xi1>
      %and3A_344 = arith.andi %eq3A_343, %or3A_324 : vector<128x128xi1>
      %not3A_345 = arith.constant dense<true> : vector<128x128xi1>
      %not3A_346 = arith.xori %eq3A_343, %not3A_345 : vector<128x128xi1>
      %and3A_347 = arith.andi %not3A_346, %or3A_329 : vector<128x128xi1>
      %or3A_348 = arith.ori %and3A_344, %and3A_347 : vector<128x128xi1>
      %select_n3A_349 = arith.select %or3A_348, %select_n3A_309, %scan3A_296 : vector<128x128xi1>, vector<128x128xf32>
      %select_n3A_350 = arith.select %or3A_348, %select_n3A_319, %scan3A_297 : vector<128x128xi1>, vector<128x128xf32>
      scf.yield %select_n3A_349, %select_n3A_350 : vector<128x128xf32>, vector<128x128xf32>
    }
    %scan3A_241 = arith.constant 7 : i32
    %scan3A_242 = arith.constant 0 : i32
    %scan3A_243 = arith.constant 4 : i32
    %scan3A_244 = arith.addi %scan3A_242, %scan3A_243 : i32
    %scan3A_245 = arith.constant 1 : i32
    %scan3A_246:2 = scf.for %scan3A_295 = %scan3A_242 to %scan3A_244 step %scan3A_245 iter_args(%scan3A_296 = %scan3A_240#0, %scan3A_297 = %scan3A_240#1) -> (vector<128x128xf32>, vector<128x128xf32>)  : i32 {
      %shift_right_arithmetic3A_298 = arith.constant 1024 : i32
      %shift_right_arithmetic3A_299 = arith.shrsi %shift_right_arithmetic3A_298, %scan3A_295 : i32
      %jit3A_300 = arith.constant 128 : i32
      %div3A_301 = arith.divsi %shift_right_arithmetic3A_299, %jit3A_300 : i32
      %sign3A_302 = arith.constant 0 : i32
      %sign3A_303 = arith.cmpi sgt, %shift_right_arithmetic3A_299, %sign3A_302 : i32
      %sign3A_304 = arith.extui %sign3A_303 : i1 to i32
      %sign3A_305 = arith.constant 0 : i32
      %sign3A_306 = arith.cmpi slt, %shift_right_arithmetic3A_299, %sign3A_305 : i32
      %sign3A_307 = arith.extui %sign3A_306 : i1 to i32
      %sign3A_308 = arith.subi %sign3A_304, %sign3A_307 : i32
      %sign3A_309 = arith.constant 0 : i32
      %sign3A_310 = arith.cmpi sgt, %jit3A_300, %sign3A_309 : i32
      %sign3A_311 = arith.extui %sign3A_310 : i1 to i32
      %sign3A_312 = arith.constant 0 : i32
      %sign3A_313 = arith.cmpi slt, %jit3A_300, %sign3A_312 : i32
      %sign3A_314 = arith.extui %sign3A_313 : i1 to i32
      %sign3A_315 = arith.subi %sign3A_311, %sign3A_314 : i32
      %ne3A_316 = arith.cmpi ne, %sign3A_308, %sign3A_315 : i32
      %rem3A_317 = arith.remsi %shift_right_arithmetic3A_299, %jit3A_300 : i32
      %ne3A_318 = arith.constant 0 : i32
      %ne3A_319 = arith.cmpi ne, %rem3A_317, %ne3A_318 : i32
      %and3A_320 = arith.andi %ne3A_316, %ne3A_319 : i1
      %sub3A_321 = arith.constant 1 : i32
      %sub3A_322 = arith.subi %div3A_301, %sub3A_321 : i32
      %select_n3A_323 = arith.select %and3A_320, %sub3A_322, %div3A_301 : i32
      %sub3A_324 = arith.constant 128 : i32
      %sub3A_325 = arith.subi %sub3A_324, %select_n3A_323 : i32
      %roll3A_326 = tpu.dynamic_rotate %scan3A_296 by %sub3A_325 dim 0 : vector<128x128xf32>, i32 -> vector<128x128xf32>
      %roll3A_327 = tpu.dynamic_rotate %scan3A_296 by %select_n3A_323 dim 0 : vector<128x128xf32>, i32 -> vector<128x128xf32>
      %and3A_328 = vector.broadcast %shift_right_arithmetic3A_299 : i32 to vector<128x128xi32>
      %and3A_329 = arith.andi %add3A, %and3A_328 : vector<128x128xi32>
      %ne3A_330 = arith.constant 0 : i32
      %ne3A_331 = vector.broadcast %ne3A_330 : i32 to vector<128x128xi32>
      %ne3A_332 = arith.cmpi ne, %and3A_329, %ne3A_331 : vector<128x128xi32>
      %select_n3A_333 = arith.select %ne3A_332, %roll3A_327, %roll3A_326 : vector<128x128xi1>, vector<128x128xf32>
      %jit3A_334 = arith.constant 128 : i32
      %div3A_335 = arith.divsi %shift_right_arithmetic3A_299, %jit3A_334 : i32
      %sign3A_336 = arith.constant 0 : i32
      %sign3A_337 = arith.cmpi sgt, %shift_right_arithmetic3A_299, %sign3A_336 : i32
      %sign3A_338 = arith.extui %sign3A_337 : i1 to i32
      %sign3A_339 = arith.constant 0 : i32
      %sign3A_340 = arith.cmpi slt, %shift_right_arithmetic3A_299, %sign3A_339 : i32
      %sign3A_341 = arith.extui %sign3A_340 : i1 to i32
      %sign3A_342 = arith.subi %sign3A_338, %sign3A_341 : i32
      %sign3A_343 = arith.constant 0 : i32
      %sign3A_344 = arith.cmpi sgt, %jit3A_334, %sign3A_343 : i32
      %sign3A_345 = arith.extui %sign3A_344 : i1 to i32
      %sign3A_346 = arith.constant 0 : i32
      %sign3A_347 = arith.cmpi slt, %jit3A_334, %sign3A_346 : i32
      %sign3A_348 = arith.extui %sign3A_347 : i1 to i32
      %sign3A_349 = arith.subi %sign3A_345, %sign3A_348 : i32
      %ne3A_350 = arith.cmpi ne, %sign3A_342, %sign3A_349 : i32
      %rem3A_351 = arith.remsi %shift_right_arithmetic3A_299, %jit3A_334 : i32
      %ne3A_352 = arith.constant 0 : i32
      %ne3A_353 = arith.cmpi ne, %rem3A_351, %ne3A_352 : i32
      %and3A_354 = arith.andi %ne3A_350, %ne3A_353 : i1
      %sub3A_355 = arith.constant 1 : i32
      %sub3A_356 = arith.subi %div3A_335, %sub3A_355 : i32
      %select_n3A_357 = arith.select %and3A_354, %sub3A_356, %div3A_335 : i32
      %sub3A_358 = arith.constant 128 : i32
      %sub3A_359 = arith.subi %sub3A_358, %select_n3A_357 : i32
      %roll3A_360 = tpu.dynamic_rotate %scan3A_297 by %sub3A_359 dim 0 : vector<128x128xf32>, i32 -> vector<128x128xf32>
      %roll3A_361 = tpu.dynamic_rotate %scan3A_297 by %select_n3A_357 dim 0 : vector<128x128xf32>, i32 -> vector<128x128xf32>
      %and3A_362 = vector.broadcast %shift_right_arithmetic3A_299 : i32 to vector<128x128xi32>
      %and3A_363 = arith.andi %add3A, %and3A_362 : vector<128x128xi32>
      %ne3A_364 = arith.constant 0 : i32
      %ne3A_365 = vector.broadcast %ne3A_364 : i32 to vector<128x128xi32>
      %ne3A_366 = arith.cmpi ne, %and3A_363, %ne3A_365 : vector<128x128xi32>
      %select_n3A_367 = arith.select %ne3A_366, %roll3A_361, %roll3A_360 : vector<128x128xi1>, vector<128x128xf32>
      %gt3A_368 = arith.cmpf ogt, %select_n3A_333, %scan3A_296 : vector<128x128xf32>
      %eq3A_369 = arith.cmpf oeq, %select_n3A_333, %scan3A_296 : vector<128x128xf32>
      %lt3A_370 = arith.cmpf olt, %select_n3A_367, %scan3A_297 : vector<128x128xf32>
      %and3A_371 = arith.andi %eq3A_369, %lt3A_370 : vector<128x128xi1>
      %or3A_372 = arith.ori %gt3A_368, %and3A_371 : vector<128x128xi1>
      %gt3A_373 = arith.cmpf ogt, %scan3A_296, %select_n3A_333 : vector<128x128xf32>
      %eq3A_374 = arith.cmpf oeq, %scan3A_296, %select_n3A_333 : vector<128x128xf32>
      %lt3A_375 = arith.cmpf olt, %scan3A_297, %select_n3A_367 : vector<128x128xf32>
      %and3A_376 = arith.andi %eq3A_374, %lt3A_375 : vector<128x128xi1>
      %or3A_377 = arith.ori %gt3A_373, %and3A_376 : vector<128x128xi1>
      %and3A_378 = vector.broadcast %shift_right_arithmetic3A_299 : i32 to vector<128x128xi32>
      %and3A_379 = arith.andi %add3A, %and3A_378 : vector<128x128xi32>
      %ne3A_380 = arith.constant 0 : i32
      %ne3A_381 = vector.broadcast %ne3A_380 : i32 to vector<128x128xi32>
      %ne3A_382 = arith.cmpi ne, %and3A_379, %ne3A_381 : vector<128x128xi32>
      %and3A_383 = arith.constant 2048 : i32
      %and3A_384 = vector.broadcast %and3A_383 : i32 to vector<128x128xi32>
      %and3A_385 = arith.andi %add3A, %and3A_384 : vector<128x128xi32>
      %ne3A_386 = arith.constant 0 : i32
      %ne3A_387 = vector.broadcast %ne3A_386 : i32 to vector<128x128xi32>
      %ne3A_388 = arith.cmpi ne, %and3A_385, %ne3A_387 : vector<128x128xi32>
      %eq3A_389 = arith.xori %ne3A_382, %ne3A_388 : vector<128x128xi1>
      %eq3A_390 = arith.constant dense<true> : vector<128x128xi1>
      %eq3A_391 = arith.xori %eq3A_389, %eq3A_390 : vector<128x128xi1>
      %and3A_392 = arith.andi %eq3A_391, %or3A_372 : vector<128x128xi1>
      %not3A_393 = arith.constant dense<true> : vector<128x128xi1>
      %not3A_394 = arith.xori %eq3A_391, %not3A_393 : vector<128x128xi1>
      %and3A_395 = arith.andi %not3A_394, %or3A_377 : vector<128x128xi1>
      %or3A_396 = arith.ori %and3A_392, %and3A_395 : vector<128x128xi1>
      %select_n3A_397 = arith.select %or3A_396, %select_n3A_333, %scan3A_296 : vector<128x128xi1>, vector<128x128xf32>
      %select_n3A_398 = arith.select %or3A_396, %select_n3A_367, %scan3A_297 : vector<128x128xi1>, vector<128x128xf32>
      scf.yield %select_n3A_397, %select_n3A_398 : vector<128x128xf32>, vector<128x128xf32>
    }
    %scan3A_247 = arith.constant 4 : i32
    %scan3A_248 = arith.constant 0 : i32
    %scan3A_249 = arith.constant 7 : i32
    %scan3A_250 = arith.addi %scan3A_248, %scan3A_249 : i32
    %scan3A_251 = arith.constant 1 : i32
    %scan3A_252:2 = scf.for %scan3A_295 = %scan3A_248 to %scan3A_250 step %scan3A_251 iter_args(%scan3A_296 = %scan3A_246#0, %scan3A_297 = %scan3A_246#1) -> (vector<128x128xf32>, vector<128x128xf32>)  : i32 {
      %shift_right_arithmetic3A_298 = arith.constant 64 : i32
      %shift_right_arithmetic3A_299 = arith.shrsi %shift_right_arithmetic3A_298, %scan3A_295 : i32
      %sub3A_300 = arith.constant 128 : i32
      %sub3A_301 = arith.subi %sub3A_300, %shift_right_arithmetic3A_299 : i32
      %roll3A_302 = tpu.dynamic_rotate %scan3A_296 by %sub3A_301 dim 1 : vector<128x128xf32>, i32 -> vector<128x128xf32>
      %roll3A_303 = tpu.dynamic_rotate %scan3A_296 by %shift_right_arithmetic3A_299 dim 1 : vector<128x128xf32>, i32 -> vector<128x128xf32>
      %and3A_304 = vector.broadcast %shift_right_arithmetic3A_299 : i32 to vector<128x128xi32>
      %and3A_305 = arith.andi %add3A, %and3A_304 : vector<128x128xi32>
      %ne3A_306 = arith.constant 0 : i32
      %ne3A_307 = vector.broadcast %ne3A_306 : i32 to vector<128x128xi32>
      %ne3A_308 = arith.cmpi ne, %and3A_305, %ne3A_307 : vector<128x128xi32>
      %select_n3A_309 = arith.select %ne3A_308, %roll3A_303, %roll3A_302 : vector<128x128xi1>, vector<128x128xf32>
      %sub3A_310 = arith.constant 128 : i32
      %sub3A_311 = arith.subi %sub3A_310, %shift_right_arithmetic3A_299 : i32
      %roll3A_312 = tpu.dynamic_rotate %scan3A_297 by %sub3A_311 dim 1 : vector<128x128xf32>, i32 -> vector<128x128xf32>
      %roll3A_313 = tpu.dynamic_rotate %scan3A_297 by %shift_right_arithmetic3A_299 dim 1 : vector<128x128xf32>, i32 -> vector<128x128xf32>
      %and3A_314 = vector.broadcast %shift_right_arithmetic3A_299 : i32 to vector<128x128xi32>
      %and3A_315 = arith.andi %add3A, %and3A_314 : vector<128x128xi32>
      %ne3A_316 = arith.constant 0 : i32
      %ne3A_317 = vector.broadcast %ne3A_316 : i32 to vector<128x128xi32>
      %ne3A_318 = arith.cmpi ne, %and3A_315, %ne3A_317 : vector<128x128xi32>
      %select_n3A_319 = arith.select %ne3A_318, %roll3A_313, %roll3A_312 : vector<128x128xi1>, vector<128x128xf32>
      %gt3A_320 = arith.cmpf ogt, %select_n3A_309, %scan3A_296 : vector<128x128xf32>
      %eq3A_321 = arith.cmpf oeq, %select_n3A_309, %scan3A_296 : vector<128x128xf32>
      %lt3A_322 = arith.cmpf olt, %select_n3A_319, %scan3A_297 : vector<128x128xf32>
      %and3A_323 = arith.andi %eq3A_321, %lt3A_322 : vector<128x128xi1>
      %or3A_324 = arith.ori %gt3A_320, %and3A_323 : vector<128x128xi1>
      %gt3A_325 = arith.cmpf ogt, %scan3A_296, %select_n3A_309 : vector<128x128xf32>
      %eq3A_326 = arith.cmpf oeq, %scan3A_296, %select_n3A_309 : vector<128x128xf32>
      %lt3A_327 = arith.cmpf olt, %scan3A_297, %select_n3A_319 : vector<128x128xf32>
      %and3A_328 = arith.andi %eq3A_326, %lt3A_327 : vector<128x128xi1>
      %or3A_329 = arith.ori %gt3A_325, %and3A_328 : vector<128x128xi1>
      %and3A_330 = vector.broadcast %shift_right_arithmetic3A_299 : i32 to vector<128x128xi32>
      %and3A_331 = arith.andi %add3A, %and3A_330 : vector<128x128xi32>
      %ne3A_332 = arith.constant 0 : i32
      %ne3A_333 = vector.broadcast %ne3A_332 : i32 to vector<128x128xi32>
      %ne3A_334 = arith.cmpi ne, %and3A_331, %ne3A_333 : vector<128x128xi32>
      %and3A_335 = arith.constant 2048 : i32
      %and3A_336 = vector.broadcast %and3A_335 : i32 to vector<128x128xi32>
      %and3A_337 = arith.andi %add3A, %and3A_336 : vector<128x128xi32>
      %ne3A_338 = arith.constant 0 : i32
      %ne3A_339 = vector.broadcast %ne3A_338 : i32 to vector<128x128xi32>
      %ne3A_340 = arith.cmpi ne, %and3A_337, %ne3A_339 : vector<128x128xi32>
      %eq3A_341 = arith.xori %ne3A_334, %ne3A_340 : vector<128x128xi1>
      %eq3A_342 = arith.constant dense<true> : vector<128x128xi1>
      %eq3A_343 = arith.xori %eq3A_341, %eq3A_342 : vector<128x128xi1>
      %and3A_344 = arith.andi %eq3A_343, %or3A_324 : vector<128x128xi1>
      %not3A_345 = arith.constant dense<true> : vector<128x128xi1>
      %not3A_346 = arith.xori %eq3A_343, %not3A_345 : vector<128x128xi1>
      %and3A_347 = arith.andi %not3A_346, %or3A_329 : vector<128x128xi1>
      %or3A_348 = arith.ori %and3A_344, %and3A_347 : vector<128x128xi1>
      %select_n3A_349 = arith.select %or3A_348, %select_n3A_309, %scan3A_296 : vector<128x128xi1>, vector<128x128xf32>
      %select_n3A_350 = arith.select %or3A_348, %select_n3A_319, %scan3A_297 : vector<128x128xi1>, vector<128x128xf32>
      scf.yield %select_n3A_349, %select_n3A_350 : vector<128x128xf32>, vector<128x128xf32>
    }
    %scan3A_253 = arith.constant 7 : i32
    %scan3A_254 = arith.constant 0 : i32
    %scan3A_255 = arith.constant 5 : i32
    %scan3A_256 = arith.addi %scan3A_254, %scan3A_255 : i32
    %scan3A_257 = arith.constant 1 : i32
    %scan3A_258:2 = scf.for %scan3A_295 = %scan3A_254 to %scan3A_256 step %scan3A_257 iter_args(%scan3A_296 = %scan3A_252#0, %scan3A_297 = %scan3A_252#1) -> (vector<128x128xf32>, vector<128x128xf32>)  : i32 {
      %shift_right_arithmetic3A_298 = arith.constant 2048 : i32
      %shift_right_arithmetic3A_299 = arith.shrsi %shift_right_arithmetic3A_298, %scan3A_295 : i32
      %jit3A_300 = arith.constant 128 : i32
      %div3A_301 = arith.divsi %shift_right_arithmetic3A_299, %jit3A_300 : i32
      %sign3A_302 = arith.constant 0 : i32
      %sign3A_303 = arith.cmpi sgt, %shift_right_arithmetic3A_299, %sign3A_302 : i32
      %sign3A_304 = arith.extui %sign3A_303 : i1 to i32
      %sign3A_305 = arith.constant 0 : i32
      %sign3A_306 = arith.cmpi slt, %shift_right_arithmetic3A_299, %sign3A_305 : i32
      %sign3A_307 = arith.extui %sign3A_306 : i1 to i32
      %sign3A_308 = arith.subi %sign3A_304, %sign3A_307 : i32
      %sign3A_309 = arith.constant 0 : i32
      %sign3A_310 = arith.cmpi sgt, %jit3A_300, %sign3A_309 : i32
      %sign3A_311 = arith.extui %sign3A_310 : i1 to i32
      %sign3A_312 = arith.constant 0 : i32
      %sign3A_313 = arith.cmpi slt, %jit3A_300, %sign3A_312 : i32
      %sign3A_314 = arith.extui %sign3A_313 : i1 to i32
      %sign3A_315 = arith.subi %sign3A_311, %sign3A_314 : i32
      %ne3A_316 = arith.cmpi ne, %sign3A_308, %sign3A_315 : i32
      %rem3A_317 = arith.remsi %shift_right_arithmetic3A_299, %jit3A_300 : i32
      %ne3A_318 = arith.constant 0 : i32
      %ne3A_319 = arith.cmpi ne, %rem3A_317, %ne3A_318 : i32
      %and3A_320 = arith.andi %ne3A_316, %ne3A_319 : i1
      %sub3A_321 = arith.constant 1 : i32
      %sub3A_322 = arith.subi %div3A_301, %sub3A_321 : i32
      %select_n3A_323 = arith.select %and3A_320, %sub3A_322, %div3A_301 : i32
      %sub3A_324 = arith.constant 128 : i32
      %sub3A_325 = arith.subi %sub3A_324, %select_n3A_323 : i32
      %roll3A_326 = tpu.dynamic_rotate %scan3A_296 by %sub3A_325 dim 0 : vector<128x128xf32>, i32 -> vector<128x128xf32>
      %roll3A_327 = tpu.dynamic_rotate %scan3A_296 by %select_n3A_323 dim 0 : vector<128x128xf32>, i32 -> vector<128x128xf32>
      %and3A_328 = vector.broadcast %shift_right_arithmetic3A_299 : i32 to vector<128x128xi32>
      %and3A_329 = arith.andi %add3A, %and3A_328 : vector<128x128xi32>
      %ne3A_330 = arith.constant 0 : i32
      %ne3A_331 = vector.broadcast %ne3A_330 : i32 to vector<128x128xi32>
      %ne3A_332 = arith.cmpi ne, %and3A_329, %ne3A_331 : vector<128x128xi32>
      %select_n3A_333 = arith.select %ne3A_332, %roll3A_327, %roll3A_326 : vector<128x128xi1>, vector<128x128xf32>
      %jit3A_334 = arith.constant 128 : i32
      %div3A_335 = arith.divsi %shift_right_arithmetic3A_299, %jit3A_334 : i32
      %sign3A_336 = arith.constant 0 : i32
      %sign3A_337 = arith.cmpi sgt, %shift_right_arithmetic3A_299, %sign3A_336 : i32
      %sign3A_338 = arith.extui %sign3A_337 : i1 to i32
      %sign3A_339 = arith.constant 0 : i32
      %sign3A_340 = arith.cmpi slt, %shift_right_arithmetic3A_299, %sign3A_339 : i32
      %sign3A_341 = arith.extui %sign3A_340 : i1 to i32
      %sign3A_342 = arith.subi %sign3A_338, %sign3A_341 : i32
      %sign3A_343 = arith.constant 0 : i32
      %sign3A_344 = arith.cmpi sgt, %jit3A_334, %sign3A_343 : i32
      %sign3A_345 = arith.extui %sign3A_344 : i1 to i32
      %sign3A_346 = arith.constant 0 : i32
      %sign3A_347 = arith.cmpi slt, %jit3A_334, %sign3A_346 : i32
      %sign3A_348 = arith.extui %sign3A_347 : i1 to i32
      %sign3A_349 = arith.subi %sign3A_345, %sign3A_348 : i32
      %ne3A_350 = arith.cmpi ne, %sign3A_342, %sign3A_349 : i32
      %rem3A_351 = arith.remsi %shift_right_arithmetic3A_299, %jit3A_334 : i32
      %ne3A_352 = arith.constant 0 : i32
      %ne3A_353 = arith.cmpi ne, %rem3A_351, %ne3A_352 : i32
      %and3A_354 = arith.andi %ne3A_350, %ne3A_353 : i1
      %sub3A_355 = arith.constant 1 : i32
      %sub3A_356 = arith.subi %div3A_335, %sub3A_355 : i32
      %select_n3A_357 = arith.select %and3A_354, %sub3A_356, %div3A_335 : i32
      %sub3A_358 = arith.constant 128 : i32
      %sub3A_359 = arith.subi %sub3A_358, %select_n3A_357 : i32
      %roll3A_360 = tpu.dynamic_rotate %scan3A_297 by %sub3A_359 dim 0 : vector<128x128xf32>, i32 -> vector<128x128xf32>
      %roll3A_361 = tpu.dynamic_rotate %scan3A_297 by %select_n3A_357 dim 0 : vector<128x128xf32>, i32 -> vector<128x128xf32>
      %and3A_362 = vector.broadcast %shift_right_arithmetic3A_299 : i32 to vector<128x128xi32>
      %and3A_363 = arith.andi %add3A, %and3A_362 : vector<128x128xi32>
      %ne3A_364 = arith.constant 0 : i32
      %ne3A_365 = vector.broadcast %ne3A_364 : i32 to vector<128x128xi32>
      %ne3A_366 = arith.cmpi ne, %and3A_363, %ne3A_365 : vector<128x128xi32>
      %select_n3A_367 = arith.select %ne3A_366, %roll3A_361, %roll3A_360 : vector<128x128xi1>, vector<128x128xf32>
      %gt3A_368 = arith.cmpf ogt, %select_n3A_333, %scan3A_296 : vector<128x128xf32>
      %eq3A_369 = arith.cmpf oeq, %select_n3A_333, %scan3A_296 : vector<128x128xf32>
      %lt3A_370 = arith.cmpf olt, %select_n3A_367, %scan3A_297 : vector<128x128xf32>
      %and3A_371 = arith.andi %eq3A_369, %lt3A_370 : vector<128x128xi1>
      %or3A_372 = arith.ori %gt3A_368, %and3A_371 : vector<128x128xi1>
      %gt3A_373 = arith.cmpf ogt, %scan3A_296, %select_n3A_333 : vector<128x128xf32>
      %eq3A_374 = arith.cmpf oeq, %scan3A_296, %select_n3A_333 : vector<128x128xf32>
      %lt3A_375 = arith.cmpf olt, %scan3A_297, %select_n3A_367 : vector<128x128xf32>
      %and3A_376 = arith.andi %eq3A_374, %lt3A_375 : vector<128x128xi1>
      %or3A_377 = arith.ori %gt3A_373, %and3A_376 : vector<128x128xi1>
      %and3A_378 = vector.broadcast %shift_right_arithmetic3A_299 : i32 to vector<128x128xi32>
      %and3A_379 = arith.andi %add3A, %and3A_378 : vector<128x128xi32>
      %ne3A_380 = arith.constant 0 : i32
      %ne3A_381 = vector.broadcast %ne3A_380 : i32 to vector<128x128xi32>
      %ne3A_382 = arith.cmpi ne, %and3A_379, %ne3A_381 : vector<128x128xi32>
      %and3A_383 = arith.constant 4096 : i32
      %and3A_384 = vector.broadcast %and3A_383 : i32 to vector<128x128xi32>
      %and3A_385 = arith.andi %add3A, %and3A_384 : vector<128x128xi32>
      %ne3A_386 = arith.constant 0 : i32
      %ne3A_387 = vector.broadcast %ne3A_386 : i32 to vector<128x128xi32>
      %ne3A_388 = arith.cmpi ne, %and3A_385, %ne3A_387 : vector<128x128xi32>
      %eq3A_389 = arith.xori %ne3A_382, %ne3A_388 : vector<128x128xi1>
      %eq3A_390 = arith.constant dense<true> : vector<128x128xi1>
      %eq3A_391 = arith.xori %eq3A_389, %eq3A_390 : vector<128x128xi1>
      %and3A_392 = arith.andi %eq3A_391, %or3A_372 : vector<128x128xi1>
      %not3A_393 = arith.constant dense<true> : vector<128x128xi1>
      %not3A_394 = arith.xori %eq3A_391, %not3A_393 : vector<128x128xi1>
      %and3A_395 = arith.andi %not3A_394, %or3A_377 : vector<128x128xi1>
      %or3A_396 = arith.ori %and3A_392, %and3A_395 : vector<128x128xi1>
      %select_n3A_397 = arith.select %or3A_396, %select_n3A_333, %scan3A_296 : vector<128x128xi1>, vector<128x128xf32>
      %select_n3A_398 = arith.select %or3A_396, %select_n3A_367, %scan3A_297 : vector<128x128xi1>, vector<128x128xf32>
      scf.yield %select_n3A_397, %select_n3A_398 : vector<128x128xf32>, vector<128x128xf32>
    }
    %scan3A_259 = arith.constant 5 : i32
    %scan3A_260 = arith.constant 0 : i32
    %scan3A_261 = arith.constant 7 : i32
    %scan3A_262 = arith.addi %scan3A_260, %scan3A_261 : i32
    %scan3A_263 = arith.constant 1 : i32
    %scan3A_264:2 = scf.for %scan3A_295 = %scan3A_260 to %scan3A_262 step %scan3A_263 iter_args(%scan3A_296 = %scan3A_258#0, %scan3A_297 = %scan3A_258#1) -> (vector<128x128xf32>, vector<128x128xf32>)  : i32 {
      %shift_right_arithmetic3A_298 = arith.constant 64 : i32
      %shift_right_arithmetic3A_299 = arith.shrsi %shift_right_arithmetic3A_298, %scan3A_295 : i32
      %sub3A_300 = arith.constant 128 : i32
      %sub3A_301 = arith.subi %sub3A_300, %shift_right_arithmetic3A_299 : i32
      %roll3A_302 = tpu.dynamic_rotate %scan3A_296 by %sub3A_301 dim 1 : vector<128x128xf32>, i32 -> vector<128x128xf32>
      %roll3A_303 = tpu.dynamic_rotate %scan3A_296 by %shift_right_arithmetic3A_299 dim 1 : vector<128x128xf32>, i32 -> vector<128x128xf32>
      %and3A_304 = vector.broadcast %shift_right_arithmetic3A_299 : i32 to vector<128x128xi32>
      %and3A_305 = arith.andi %add3A, %and3A_304 : vector<128x128xi32>
      %ne3A_306 = arith.constant 0 : i32
      %ne3A_307 = vector.broadcast %ne3A_306 : i32 to vector<128x128xi32>
      %ne3A_308 = arith.cmpi ne, %and3A_305, %ne3A_307 : vector<128x128xi32>
      %select_n3A_309 = arith.select %ne3A_308, %roll3A_303, %roll3A_302 : vector<128x128xi1>, vector<128x128xf32>
      %sub3A_310 = arith.constant 128 : i32
      %sub3A_311 = arith.subi %sub3A_310, %shift_right_arithmetic3A_299 : i32
      %roll3A_312 = tpu.dynamic_rotate %scan3A_297 by %sub3A_311 dim 1 : vector<128x128xf32>, i32 -> vector<128x128xf32>
      %roll3A_313 = tpu.dynamic_rotate %scan3A_297 by %shift_right_arithmetic3A_299 dim 1 : vector<128x128xf32>, i32 -> vector<128x128xf32>
      %and3A_314 = vector.broadcast %shift_right_arithmetic3A_299 : i32 to vector<128x128xi32>
      %and3A_315 = arith.andi %add3A, %and3A_314 : vector<128x128xi32>
      %ne3A_316 = arith.constant 0 : i32
      %ne3A_317 = vector.broadcast %ne3A_316 : i32 to vector<128x128xi32>
      %ne3A_318 = arith.cmpi ne, %and3A_315, %ne3A_317 : vector<128x128xi32>
      %select_n3A_319 = arith.select %ne3A_318, %roll3A_313, %roll3A_312 : vector<128x128xi1>, vector<128x128xf32>
      %gt3A_320 = arith.cmpf ogt, %select_n3A_309, %scan3A_296 : vector<128x128xf32>
      %eq3A_321 = arith.cmpf oeq, %select_n3A_309, %scan3A_296 : vector<128x128xf32>
      %lt3A_322 = arith.cmpf olt, %select_n3A_319, %scan3A_297 : vector<128x128xf32>
      %and3A_323 = arith.andi %eq3A_321, %lt3A_322 : vector<128x128xi1>
      %or3A_324 = arith.ori %gt3A_320, %and3A_323 : vector<128x128xi1>
      %gt3A_325 = arith.cmpf ogt, %scan3A_296, %select_n3A_309 : vector<128x128xf32>
      %eq3A_326 = arith.cmpf oeq, %scan3A_296, %select_n3A_309 : vector<128x128xf32>
      %lt3A_327 = arith.cmpf olt, %scan3A_297, %select_n3A_319 : vector<128x128xf32>
      %and3A_328 = arith.andi %eq3A_326, %lt3A_327 : vector<128x128xi1>
      %or3A_329 = arith.ori %gt3A_325, %and3A_328 : vector<128x128xi1>
      %and3A_330 = vector.broadcast %shift_right_arithmetic3A_299 : i32 to vector<128x128xi32>
      %and3A_331 = arith.andi %add3A, %and3A_330 : vector<128x128xi32>
      %ne3A_332 = arith.constant 0 : i32
      %ne3A_333 = vector.broadcast %ne3A_332 : i32 to vector<128x128xi32>
      %ne3A_334 = arith.cmpi ne, %and3A_331, %ne3A_333 : vector<128x128xi32>
      %and3A_335 = arith.constant 4096 : i32
      %and3A_336 = vector.broadcast %and3A_335 : i32 to vector<128x128xi32>
      %and3A_337 = arith.andi %add3A, %and3A_336 : vector<128x128xi32>
      %ne3A_338 = arith.constant 0 : i32
      %ne3A_339 = vector.broadcast %ne3A_338 : i32 to vector<128x128xi32>
      %ne3A_340 = arith.cmpi ne, %and3A_337, %ne3A_339 : vector<128x128xi32>
      %eq3A_341 = arith.xori %ne3A_334, %ne3A_340 : vector<128x128xi1>
      %eq3A_342 = arith.constant dense<true> : vector<128x128xi1>
      %eq3A_343 = arith.xori %eq3A_341, %eq3A_342 : vector<128x128xi1>
      %and3A_344 = arith.andi %eq3A_343, %or3A_324 : vector<128x128xi1>
      %not3A_345 = arith.constant dense<true> : vector<128x128xi1>
      %not3A_346 = arith.xori %eq3A_343, %not3A_345 : vector<128x128xi1>
      %and3A_347 = arith.andi %not3A_346, %or3A_329 : vector<128x128xi1>
      %or3A_348 = arith.ori %and3A_344, %and3A_347 : vector<128x128xi1>
      %select_n3A_349 = arith.select %or3A_348, %select_n3A_309, %scan3A_296 : vector<128x128xi1>, vector<128x128xf32>
      %select_n3A_350 = arith.select %or3A_348, %select_n3A_319, %scan3A_297 : vector<128x128xi1>, vector<128x128xf32>
      scf.yield %select_n3A_349, %select_n3A_350 : vector<128x128xf32>, vector<128x128xf32>
    }
    %scan3A_265 = arith.constant 7 : i32
    %scan3A_266 = arith.constant 0 : i32
    %scan3A_267 = arith.constant 6 : i32
    %scan3A_268 = arith.addi %scan3A_266, %scan3A_267 : i32
    %scan3A_269 = arith.constant 1 : i32
    %scan3A_270:2 = scf.for %scan3A_295 = %scan3A_266 to %scan3A_268 step %scan3A_269 iter_args(%scan3A_296 = %scan3A_264#0, %scan3A_297 = %scan3A_264#1) -> (vector<128x128xf32>, vector<128x128xf32>)  : i32 {
      %shift_right_arithmetic3A_298 = arith.constant 4096 : i32
      %shift_right_arithmetic3A_299 = arith.shrsi %shift_right_arithmetic3A_298, %scan3A_295 : i32
      %jit3A_300 = arith.constant 128 : i32
      %div3A_301 = arith.divsi %shift_right_arithmetic3A_299, %jit3A_300 : i32
      %sign3A_302 = arith.constant 0 : i32
      %sign3A_303 = arith.cmpi sgt, %shift_right_arithmetic3A_299, %sign3A_302 : i32
      %sign3A_304 = arith.extui %sign3A_303 : i1 to i32
      %sign3A_305 = arith.constant 0 : i32
      %sign3A_306 = arith.cmpi slt, %shift_right_arithmetic3A_299, %sign3A_305 : i32
      %sign3A_307 = arith.extui %sign3A_306 : i1 to i32
      %sign3A_308 = arith.subi %sign3A_304, %sign3A_307 : i32
      %sign3A_309 = arith.constant 0 : i32
      %sign3A_310 = arith.cmpi sgt, %jit3A_300, %sign3A_309 : i32
      %sign3A_311 = arith.extui %sign3A_310 : i1 to i32
      %sign3A_312 = arith.constant 0 : i32
      %sign3A_313 = arith.cmpi slt, %jit3A_300, %sign3A_312 : i32
      %sign3A_314 = arith.extui %sign3A_313 : i1 to i32
      %sign3A_315 = arith.subi %sign3A_311, %sign3A_314 : i32
      %ne3A_316 = arith.cmpi ne, %sign3A_308, %sign3A_315 : i32
      %rem3A_317 = arith.remsi %shift_right_arithmetic3A_299, %jit3A_300 : i32
      %ne3A_318 = arith.constant 0 : i32
      %ne3A_319 = arith.cmpi ne, %rem3A_317, %ne3A_318 : i32
      %and3A_320 = arith.andi %ne3A_316, %ne3A_319 : i1
      %sub3A_321 = arith.constant 1 : i32
      %sub3A_322 = arith.subi %div3A_301, %sub3A_321 : i32
      %select_n3A_323 = arith.select %and3A_320, %sub3A_322, %div3A_301 : i32
      %sub3A_324 = arith.constant 128 : i32
      %sub3A_325 = arith.subi %sub3A_324, %select_n3A_323 : i32
      %roll3A_326 = tpu.dynamic_rotate %scan3A_296 by %sub3A_325 dim 0 : vector<128x128xf32>, i32 -> vector<128x128xf32>
      %roll3A_327 = tpu.dynamic_rotate %scan3A_296 by %select_n3A_323 dim 0 : vector<128x128xf32>, i32 -> vector<128x128xf32>
      %and3A_328 = vector.broadcast %shift_right_arithmetic3A_299 : i32 to vector<128x128xi32>
      %and3A_329 = arith.andi %add3A, %and3A_328 : vector<128x128xi32>
      %ne3A_330 = arith.constant 0 : i32
      %ne3A_331 = vector.broadcast %ne3A_330 : i32 to vector<128x128xi32>
      %ne3A_332 = arith.cmpi ne, %and3A_329, %ne3A_331 : vector<128x128xi32>
      %select_n3A_333 = arith.select %ne3A_332, %roll3A_327, %roll3A_326 : vector<128x128xi1>, vector<128x128xf32>
      %jit3A_334 = arith.constant 128 : i32
      %div3A_335 = arith.divsi %shift_right_arithmetic3A_299, %jit3A_334 : i32
      %sign3A_336 = arith.constant 0 : i32
      %sign3A_337 = arith.cmpi sgt, %shift_right_arithmetic3A_299, %sign3A_336 : i32
      %sign3A_338 = arith.extui %sign3A_337 : i1 to i32
      %sign3A_339 = arith.constant 0 : i32
      %sign3A_340 = arith.cmpi slt, %shift_right_arithmetic3A_299, %sign3A_339 : i32
      %sign3A_341 = arith.extui %sign3A_340 : i1 to i32
      %sign3A_342 = arith.subi %sign3A_338, %sign3A_341 : i32
      %sign3A_343 = arith.constant 0 : i32
      %sign3A_344 = arith.cmpi sgt, %jit3A_334, %sign3A_343 : i32
      %sign3A_345 = arith.extui %sign3A_344 : i1 to i32
      %sign3A_346 = arith.constant 0 : i32
      %sign3A_347 = arith.cmpi slt, %jit3A_334, %sign3A_346 : i32
      %sign3A_348 = arith.extui %sign3A_347 : i1 to i32
      %sign3A_349 = arith.subi %sign3A_345, %sign3A_348 : i32
      %ne3A_350 = arith.cmpi ne, %sign3A_342, %sign3A_349 : i32
      %rem3A_351 = arith.remsi %shift_right_arithmetic3A_299, %jit3A_334 : i32
      %ne3A_352 = arith.constant 0 : i32
      %ne3A_353 = arith.cmpi ne, %rem3A_351, %ne3A_352 : i32
      %and3A_354 = arith.andi %ne3A_350, %ne3A_353 : i1
      %sub3A_355 = arith.constant 1 : i32
      %sub3A_356 = arith.subi %div3A_335, %sub3A_355 : i32
      %select_n3A_357 = arith.select %and3A_354, %sub3A_356, %div3A_335 : i32
      %sub3A_358 = arith.constant 128 : i32
      %sub3A_359 = arith.subi %sub3A_358, %select_n3A_357 : i32
      %roll3A_360 = tpu.dynamic_rotate %scan3A_297 by %sub3A_359 dim 0 : vector<128x128xf32>, i32 -> vector<128x128xf32>
      %roll3A_361 = tpu.dynamic_rotate %scan3A_297 by %select_n3A_357 dim 0 : vector<128x128xf32>, i32 -> vector<128x128xf32>
      %and3A_362 = vector.broadcast %shift_right_arithmetic3A_299 : i32 to vector<128x128xi32>
      %and3A_363 = arith.andi %add3A, %and3A_362 : vector<128x128xi32>
      %ne3A_364 = arith.constant 0 : i32
      %ne3A_365 = vector.broadcast %ne3A_364 : i32 to vector<128x128xi32>
      %ne3A_366 = arith.cmpi ne, %and3A_363, %ne3A_365 : vector<128x128xi32>
      %select_n3A_367 = arith.select %ne3A_366, %roll3A_361, %roll3A_360 : vector<128x128xi1>, vector<128x128xf32>
      %gt3A_368 = arith.cmpf ogt, %select_n3A_333, %scan3A_296 : vector<128x128xf32>
      %eq3A_369 = arith.cmpf oeq, %select_n3A_333, %scan3A_296 : vector<128x128xf32>
      %lt3A_370 = arith.cmpf olt, %select_n3A_367, %scan3A_297 : vector<128x128xf32>
      %and3A_371 = arith.andi %eq3A_369, %lt3A_370 : vector<128x128xi1>
      %or3A_372 = arith.ori %gt3A_368, %and3A_371 : vector<128x128xi1>
      %gt3A_373 = arith.cmpf ogt, %scan3A_296, %select_n3A_333 : vector<128x128xf32>
      %eq3A_374 = arith.cmpf oeq, %scan3A_296, %select_n3A_333 : vector<128x128xf32>
      %lt3A_375 = arith.cmpf olt, %scan3A_297, %select_n3A_367 : vector<128x128xf32>
      %and3A_376 = arith.andi %eq3A_374, %lt3A_375 : vector<128x128xi1>
      %or3A_377 = arith.ori %gt3A_373, %and3A_376 : vector<128x128xi1>
      %and3A_378 = vector.broadcast %shift_right_arithmetic3A_299 : i32 to vector<128x128xi32>
      %and3A_379 = arith.andi %add3A, %and3A_378 : vector<128x128xi32>
      %ne3A_380 = arith.constant 0 : i32
      %ne3A_381 = vector.broadcast %ne3A_380 : i32 to vector<128x128xi32>
      %ne3A_382 = arith.cmpi ne, %and3A_379, %ne3A_381 : vector<128x128xi32>
      %and3A_383 = arith.constant 8192 : i32
      %and3A_384 = vector.broadcast %and3A_383 : i32 to vector<128x128xi32>
      %and3A_385 = arith.andi %add3A, %and3A_384 : vector<128x128xi32>
      %ne3A_386 = arith.constant 0 : i32
      %ne3A_387 = vector.broadcast %ne3A_386 : i32 to vector<128x128xi32>
      %ne3A_388 = arith.cmpi ne, %and3A_385, %ne3A_387 : vector<128x128xi32>
      %eq3A_389 = arith.xori %ne3A_382, %ne3A_388 : vector<128x128xi1>
      %eq3A_390 = arith.constant dense<true> : vector<128x128xi1>
      %eq3A_391 = arith.xori %eq3A_389, %eq3A_390 : vector<128x128xi1>
      %and3A_392 = arith.andi %eq3A_391, %or3A_372 : vector<128x128xi1>
      %not3A_393 = arith.constant dense<true> : vector<128x128xi1>
      %not3A_394 = arith.xori %eq3A_391, %not3A_393 : vector<128x128xi1>
      %and3A_395 = arith.andi %not3A_394, %or3A_377 : vector<128x128xi1>
      %or3A_396 = arith.ori %and3A_392, %and3A_395 : vector<128x128xi1>
      %select_n3A_397 = arith.select %or3A_396, %select_n3A_333, %scan3A_296 : vector<128x128xi1>, vector<128x128xf32>
      %select_n3A_398 = arith.select %or3A_396, %select_n3A_367, %scan3A_297 : vector<128x128xi1>, vector<128x128xf32>
      scf.yield %select_n3A_397, %select_n3A_398 : vector<128x128xf32>, vector<128x128xf32>
    }
    %scan3A_271 = arith.constant 6 : i32
    %scan3A_272 = arith.constant 0 : i32
    %scan3A_273 = arith.constant 7 : i32
    %scan3A_274 = arith.addi %scan3A_272, %scan3A_273 : i32
    %scan3A_275 = arith.constant 1 : i32
    %scan3A_276:2 = scf.for %scan3A_295 = %scan3A_272 to %scan3A_274 step %scan3A_275 iter_args(%scan3A_296 = %scan3A_270#0, %scan3A_297 = %scan3A_270#1) -> (vector<128x128xf32>, vector<128x128xf32>)  : i32 {
      %shift_right_arithmetic3A_298 = arith.constant 64 : i32
      %shift_right_arithmetic3A_299 = arith.shrsi %shift_right_arithmetic3A_298, %scan3A_295 : i32
      %sub3A_300 = arith.constant 128 : i32
      %sub3A_301 = arith.subi %sub3A_300, %shift_right_arithmetic3A_299 : i32
      %roll3A_302 = tpu.dynamic_rotate %scan3A_296 by %sub3A_301 dim 1 : vector<128x128xf32>, i32 -> vector<128x128xf32>
      %roll3A_303 = tpu.dynamic_rotate %scan3A_296 by %shift_right_arithmetic3A_299 dim 1 : vector<128x128xf32>, i32 -> vector<128x128xf32>
      %and3A_304 = vector.broadcast %shift_right_arithmetic3A_299 : i32 to vector<128x128xi32>
      %and3A_305 = arith.andi %add3A, %and3A_304 : vector<128x128xi32>
      %ne3A_306 = arith.constant 0 : i32
      %ne3A_307 = vector.broadcast %ne3A_306 : i32 to vector<128x128xi32>
      %ne3A_308 = arith.cmpi ne, %and3A_305, %ne3A_307 : vector<128x128xi32>
      %select_n3A_309 = arith.select %ne3A_308, %roll3A_303, %roll3A_302 : vector<128x128xi1>, vector<128x128xf32>
      %sub3A_310 = arith.constant 128 : i32
      %sub3A_311 = arith.subi %sub3A_310, %shift_right_arithmetic3A_299 : i32
      %roll3A_312 = tpu.dynamic_rotate %scan3A_297 by %sub3A_311 dim 1 : vector<128x128xf32>, i32 -> vector<128x128xf32>
      %roll3A_313 = tpu.dynamic_rotate %scan3A_297 by %shift_right_arithmetic3A_299 dim 1 : vector<128x128xf32>, i32 -> vector<128x128xf32>
      %and3A_314 = vector.broadcast %shift_right_arithmetic3A_299 : i32 to vector<128x128xi32>
      %and3A_315 = arith.andi %add3A, %and3A_314 : vector<128x128xi32>
      %ne3A_316 = arith.constant 0 : i32
      %ne3A_317 = vector.broadcast %ne3A_316 : i32 to vector<128x128xi32>
      %ne3A_318 = arith.cmpi ne, %and3A_315, %ne3A_317 : vector<128x128xi32>
      %select_n3A_319 = arith.select %ne3A_318, %roll3A_313, %roll3A_312 : vector<128x128xi1>, vector<128x128xf32>
      %gt3A_320 = arith.cmpf ogt, %select_n3A_309, %scan3A_296 : vector<128x128xf32>
      %eq3A_321 = arith.cmpf oeq, %select_n3A_309, %scan3A_296 : vector<128x128xf32>
      %lt3A_322 = arith.cmpf olt, %select_n3A_319, %scan3A_297 : vector<128x128xf32>
      %and3A_323 = arith.andi %eq3A_321, %lt3A_322 : vector<128x128xi1>
      %or3A_324 = arith.ori %gt3A_320, %and3A_323 : vector<128x128xi1>
      %gt3A_325 = arith.cmpf ogt, %scan3A_296, %select_n3A_309 : vector<128x128xf32>
      %eq3A_326 = arith.cmpf oeq, %scan3A_296, %select_n3A_309 : vector<128x128xf32>
      %lt3A_327 = arith.cmpf olt, %scan3A_297, %select_n3A_319 : vector<128x128xf32>
      %and3A_328 = arith.andi %eq3A_326, %lt3A_327 : vector<128x128xi1>
      %or3A_329 = arith.ori %gt3A_325, %and3A_328 : vector<128x128xi1>
      %and3A_330 = vector.broadcast %shift_right_arithmetic3A_299 : i32 to vector<128x128xi32>
      %and3A_331 = arith.andi %add3A, %and3A_330 : vector<128x128xi32>
      %ne3A_332 = arith.constant 0 : i32
      %ne3A_333 = vector.broadcast %ne3A_332 : i32 to vector<128x128xi32>
      %ne3A_334 = arith.cmpi ne, %and3A_331, %ne3A_333 : vector<128x128xi32>
      %and3A_335 = arith.constant 8192 : i32
      %and3A_336 = vector.broadcast %and3A_335 : i32 to vector<128x128xi32>
      %and3A_337 = arith.andi %add3A, %and3A_336 : vector<128x128xi32>
      %ne3A_338 = arith.constant 0 : i32
      %ne3A_339 = vector.broadcast %ne3A_338 : i32 to vector<128x128xi32>
      %ne3A_340 = arith.cmpi ne, %and3A_337, %ne3A_339 : vector<128x128xi32>
      %eq3A_341 = arith.xori %ne3A_334, %ne3A_340 : vector<128x128xi1>
      %eq3A_342 = arith.constant dense<true> : vector<128x128xi1>
      %eq3A_343 = arith.xori %eq3A_341, %eq3A_342 : vector<128x128xi1>
      %and3A_344 = arith.andi %eq3A_343, %or3A_324 : vector<128x128xi1>
      %not3A_345 = arith.constant dense<true> : vector<128x128xi1>
      %not3A_346 = arith.xori %eq3A_343, %not3A_345 : vector<128x128xi1>
      %and3A_347 = arith.andi %not3A_346, %or3A_329 : vector<128x128xi1>
      %or3A_348 = arith.ori %and3A_344, %and3A_347 : vector<128x128xi1>
      %select_n3A_349 = arith.select %or3A_348, %select_n3A_309, %scan3A_296 : vector<128x128xi1>, vector<128x128xf32>
      %select_n3A_350 = arith.select %or3A_348, %select_n3A_319, %scan3A_297 : vector<128x128xi1>, vector<128x128xf32>
      scf.yield %select_n3A_349, %select_n3A_350 : vector<128x128xf32>, vector<128x128xf32>
    }
    %scan3A_277 = arith.constant 7 : i32
    %scan3A_278 = arith.constant 0 : i32
    %scan3A_279 = arith.constant 7 : i32
    %scan3A_280 = arith.addi %scan3A_278, %scan3A_279 : i32
    %scan3A_281 = arith.constant 1 : i32
    %scan3A_282:2 = scf.for %scan3A_295 = %scan3A_278 to %scan3A_280 step %scan3A_281 iter_args(%scan3A_296 = %scan3A_276#0, %scan3A_297 = %scan3A_276#1) -> (vector<128x128xf32>, vector<128x128xf32>)  : i32 {
      %shift_right_arithmetic3A_298 = arith.constant 8192 : i32
      %shift_right_arithmetic3A_299 = arith.shrsi %shift_right_arithmetic3A_298, %scan3A_295 : i32
      %jit3A_300 = arith.constant 128 : i32
      %div3A_301 = arith.divsi %shift_right_arithmetic3A_299, %jit3A_300 : i32
      %sign3A_302 = arith.constant 0 : i32
      %sign3A_303 = arith.cmpi sgt, %shift_right_arithmetic3A_299, %sign3A_302 : i32
      %sign3A_304 = arith.extui %sign3A_303 : i1 to i32
      %sign3A_305 = arith.constant 0 : i32
      %sign3A_306 = arith.cmpi slt, %shift_right_arithmetic3A_299, %sign3A_305 : i32
      %sign3A_307 = arith.extui %sign3A_306 : i1 to i32
      %sign3A_308 = arith.subi %sign3A_304, %sign3A_307 : i32
      %sign3A_309 = arith.constant 0 : i32
      %sign3A_310 = arith.cmpi sgt, %jit3A_300, %sign3A_309 : i32
      %sign3A_311 = arith.extui %sign3A_310 : i1 to i32
      %sign3A_312 = arith.constant 0 : i32
      %sign3A_313 = arith.cmpi slt, %jit3A_300, %sign3A_312 : i32
      %sign3A_314 = arith.extui %sign3A_313 : i1 to i32
      %sign3A_315 = arith.subi %sign3A_311, %sign3A_314 : i32
      %ne3A_316 = arith.cmpi ne, %sign3A_308, %sign3A_315 : i32
      %rem3A_317 = arith.remsi %shift_right_arithmetic3A_299, %jit3A_300 : i32
      %ne3A_318 = arith.constant 0 : i32
      %ne3A_319 = arith.cmpi ne, %rem3A_317, %ne3A_318 : i32
      %and3A_320 = arith.andi %ne3A_316, %ne3A_319 : i1
      %sub3A_321 = arith.constant 1 : i32
      %sub3A_322 = arith.subi %div3A_301, %sub3A_321 : i32
      %select_n3A_323 = arith.select %and3A_320, %sub3A_322, %div3A_301 : i32
      %sub3A_324 = arith.constant 128 : i32
      %sub3A_325 = arith.subi %sub3A_324, %select_n3A_323 : i32
      %roll3A_326 = tpu.dynamic_rotate %scan3A_296 by %sub3A_325 dim 0 : vector<128x128xf32>, i32 -> vector<128x128xf32>
      %roll3A_327 = tpu.dynamic_rotate %scan3A_296 by %select_n3A_323 dim 0 : vector<128x128xf32>, i32 -> vector<128x128xf32>
      %and3A_328 = vector.broadcast %shift_right_arithmetic3A_299 : i32 to vector<128x128xi32>
      %and3A_329 = arith.andi %add3A, %and3A_328 : vector<128x128xi32>
      %ne3A_330 = arith.constant 0 : i32
      %ne3A_331 = vector.broadcast %ne3A_330 : i32 to vector<128x128xi32>
      %ne3A_332 = arith.cmpi ne, %and3A_329, %ne3A_331 : vector<128x128xi32>
      %select_n3A_333 = arith.select %ne3A_332, %roll3A_327, %roll3A_326 : vector<128x128xi1>, vector<128x128xf32>
      %jit3A_334 = arith.constant 128 : i32
      %div3A_335 = arith.divsi %shift_right_arithmetic3A_299, %jit3A_334 : i32
      %sign3A_336 = arith.constant 0 : i32
      %sign3A_337 = arith.cmpi sgt, %shift_right_arithmetic3A_299, %sign3A_336 : i32
      %sign3A_338 = arith.extui %sign3A_337 : i1 to i32
      %sign3A_339 = arith.constant 0 : i32
      %sign3A_340 = arith.cmpi slt, %shift_right_arithmetic3A_299, %sign3A_339 : i32
      %sign3A_341 = arith.extui %sign3A_340 : i1 to i32
      %sign3A_342 = arith.subi %sign3A_338, %sign3A_341 : i32
      %sign3A_343 = arith.constant 0 : i32
      %sign3A_344 = arith.cmpi sgt, %jit3A_334, %sign3A_343 : i32
      %sign3A_345 = arith.extui %sign3A_344 : i1 to i32
      %sign3A_346 = arith.constant 0 : i32
      %sign3A_347 = arith.cmpi slt, %jit3A_334, %sign3A_346 : i32
      %sign3A_348 = arith.extui %sign3A_347 : i1 to i32
      %sign3A_349 = arith.subi %sign3A_345, %sign3A_348 : i32
      %ne3A_350 = arith.cmpi ne, %sign3A_342, %sign3A_349 : i32
      %rem3A_351 = arith.remsi %shift_right_arithmetic3A_299, %jit3A_334 : i32
      %ne3A_352 = arith.constant 0 : i32
      %ne3A_353 = arith.cmpi ne, %rem3A_351, %ne3A_352 : i32
      %and3A_354 = arith.andi %ne3A_350, %ne3A_353 : i1
      %sub3A_355 = arith.constant 1 : i32
      %sub3A_356 = arith.subi %div3A_335, %sub3A_355 : i32
      %select_n3A_357 = arith.select %and3A_354, %sub3A_356, %div3A_335 : i32
      %sub3A_358 = arith.constant 128 : i32
      %sub3A_359 = arith.subi %sub3A_358, %select_n3A_357 : i32
      %roll3A_360 = tpu.dynamic_rotate %scan3A_297 by %sub3A_359 dim 0 : vector<128x128xf32>, i32 -> vector<128x128xf32>
      %roll3A_361 = tpu.dynamic_rotate %scan3A_297 by %select_n3A_357 dim 0 : vector<128x128xf32>, i32 -> vector<128x128xf32>
      %and3A_362 = vector.broadcast %shift_right_arithmetic3A_299 : i32 to vector<128x128xi32>
      %and3A_363 = arith.andi %add3A, %and3A_362 : vector<128x128xi32>
      %ne3A_364 = arith.constant 0 : i32
      %ne3A_365 = vector.broadcast %ne3A_364 : i32 to vector<128x128xi32>
      %ne3A_366 = arith.cmpi ne, %and3A_363, %ne3A_365 : vector<128x128xi32>
      %select_n3A_367 = arith.select %ne3A_366, %roll3A_361, %roll3A_360 : vector<128x128xi1>, vector<128x128xf32>
      %gt3A_368 = arith.cmpf ogt, %select_n3A_333, %scan3A_296 : vector<128x128xf32>
      %eq3A_369 = arith.cmpf oeq, %select_n3A_333, %scan3A_296 : vector<128x128xf32>
      %lt3A_370 = arith.cmpf olt, %select_n3A_367, %scan3A_297 : vector<128x128xf32>
      %and3A_371 = arith.andi %eq3A_369, %lt3A_370 : vector<128x128xi1>
      %or3A_372 = arith.ori %gt3A_368, %and3A_371 : vector<128x128xi1>
      %gt3A_373 = arith.cmpf ogt, %scan3A_296, %select_n3A_333 : vector<128x128xf32>
      %eq3A_374 = arith.cmpf oeq, %scan3A_296, %select_n3A_333 : vector<128x128xf32>
      %lt3A_375 = arith.cmpf olt, %scan3A_297, %select_n3A_367 : vector<128x128xf32>
      %and3A_376 = arith.andi %eq3A_374, %lt3A_375 : vector<128x128xi1>
      %or3A_377 = arith.ori %gt3A_373, %and3A_376 : vector<128x128xi1>
      %and3A_378 = vector.broadcast %shift_right_arithmetic3A_299 : i32 to vector<128x128xi32>
      %and3A_379 = arith.andi %add3A, %and3A_378 : vector<128x128xi32>
      %ne3A_380 = arith.constant 0 : i32
      %ne3A_381 = vector.broadcast %ne3A_380 : i32 to vector<128x128xi32>
      %ne3A_382 = arith.cmpi ne, %and3A_379, %ne3A_381 : vector<128x128xi32>
      %and3A_383 = arith.constant 16384 : i32
      %and3A_384 = vector.broadcast %and3A_383 : i32 to vector<128x128xi32>
      %and3A_385 = arith.andi %add3A, %and3A_384 : vector<128x128xi32>
      %ne3A_386 = arith.constant 0 : i32
      %ne3A_387 = vector.broadcast %ne3A_386 : i32 to vector<128x128xi32>
      %ne3A_388 = arith.cmpi ne, %and3A_385, %ne3A_387 : vector<128x128xi32>
      %eq3A_389 = arith.xori %ne3A_382, %ne3A_388 : vector<128x128xi1>
      %eq3A_390 = arith.constant dense<true> : vector<128x128xi1>
      %eq3A_391 = arith.xori %eq3A_389, %eq3A_390 : vector<128x128xi1>
      %and3A_392 = arith.andi %eq3A_391, %or3A_372 : vector<128x128xi1>
      %not3A_393 = arith.constant dense<true> : vector<128x128xi1>
      %not3A_394 = arith.xori %eq3A_391, %not3A_393 : vector<128x128xi1>
      %and3A_395 = arith.andi %not3A_394, %or3A_377 : vector<128x128xi1>
      %or3A_396 = arith.ori %and3A_392, %and3A_395 : vector<128x128xi1>
      %select_n3A_397 = arith.select %or3A_396, %select_n3A_333, %scan3A_296 : vector<128x128xi1>, vector<128x128xf32>
      %select_n3A_398 = arith.select %or3A_396, %select_n3A_367, %scan3A_297 : vector<128x128xi1>, vector<128x128xf32>
      scf.yield %select_n3A_397, %select_n3A_398 : vector<128x128xf32>, vector<128x128xf32>
    }
    %scan3A_283 = arith.constant 7 : i32
    %scan3A_284 = arith.constant 0 : i32
    %scan3A_285 = arith.constant 7 : i32
    %scan3A_286 = arith.addi %scan3A_284, %scan3A_285 : i32
    %scan3A_287 = arith.constant 1 : i32
    %scan3A_288:2 = scf.for %scan3A_295 = %scan3A_284 to %scan3A_286 step %scan3A_287 iter_args(%scan3A_296 = %scan3A_282#0, %scan3A_297 = %scan3A_282#1) -> (vector<128x128xf32>, vector<128x128xf32>)  : i32 {
      %shift_right_arithmetic3A_298 = arith.constant 64 : i32
      %shift_right_arithmetic3A_299 = arith.shrsi %shift_right_arithmetic3A_298, %scan3A_295 : i32
      %sub3A_300 = arith.constant 128 : i32
      %sub3A_301 = arith.subi %sub3A_300, %shift_right_arithmetic3A_299 : i32
      %roll3A_302 = tpu.dynamic_rotate %scan3A_296 by %sub3A_301 dim 1 : vector<128x128xf32>, i32 -> vector<128x128xf32>
      %roll3A_303 = tpu.dynamic_rotate %scan3A_296 by %shift_right_arithmetic3A_299 dim 1 : vector<128x128xf32>, i32 -> vector<128x128xf32>
      %and3A_304 = vector.broadcast %shift_right_arithmetic3A_299 : i32 to vector<128x128xi32>
      %and3A_305 = arith.andi %add3A, %and3A_304 : vector<128x128xi32>
      %ne3A_306 = arith.constant 0 : i32
      %ne3A_307 = vector.broadcast %ne3A_306 : i32 to vector<128x128xi32>
      %ne3A_308 = arith.cmpi ne, %and3A_305, %ne3A_307 : vector<128x128xi32>
      %select_n3A_309 = arith.select %ne3A_308, %roll3A_303, %roll3A_302 : vector<128x128xi1>, vector<128x128xf32>
      %sub3A_310 = arith.constant 128 : i32
      %sub3A_311 = arith.subi %sub3A_310, %shift_right_arithmetic3A_299 : i32
      %roll3A_312 = tpu.dynamic_rotate %scan3A_297 by %sub3A_311 dim 1 : vector<128x128xf32>, i32 -> vector<128x128xf32>
      %roll3A_313 = tpu.dynamic_rotate %scan3A_297 by %shift_right_arithmetic3A_299 dim 1 : vector<128x128xf32>, i32 -> vector<128x128xf32>
      %and3A_314 = vector.broadcast %shift_right_arithmetic3A_299 : i32 to vector<128x128xi32>
      %and3A_315 = arith.andi %add3A, %and3A_314 : vector<128x128xi32>
      %ne3A_316 = arith.constant 0 : i32
      %ne3A_317 = vector.broadcast %ne3A_316 : i32 to vector<128x128xi32>
      %ne3A_318 = arith.cmpi ne, %and3A_315, %ne3A_317 : vector<128x128xi32>
      %select_n3A_319 = arith.select %ne3A_318, %roll3A_313, %roll3A_312 : vector<128x128xi1>, vector<128x128xf32>
      %gt3A_320 = arith.cmpf ogt, %select_n3A_309, %scan3A_296 : vector<128x128xf32>
      %eq3A_321 = arith.cmpf oeq, %select_n3A_309, %scan3A_296 : vector<128x128xf32>
      %lt3A_322 = arith.cmpf olt, %select_n3A_319, %scan3A_297 : vector<128x128xf32>
      %and3A_323 = arith.andi %eq3A_321, %lt3A_322 : vector<128x128xi1>
      %or3A_324 = arith.ori %gt3A_320, %and3A_323 : vector<128x128xi1>
      %gt3A_325 = arith.cmpf ogt, %scan3A_296, %select_n3A_309 : vector<128x128xf32>
      %eq3A_326 = arith.cmpf oeq, %scan3A_296, %select_n3A_309 : vector<128x128xf32>
      %lt3A_327 = arith.cmpf olt, %scan3A_297, %select_n3A_319 : vector<128x128xf32>
      %and3A_328 = arith.andi %eq3A_326, %lt3A_327 : vector<128x128xi1>
      %or3A_329 = arith.ori %gt3A_325, %and3A_328 : vector<128x128xi1>
      %and3A_330 = vector.broadcast %shift_right_arithmetic3A_299 : i32 to vector<128x128xi32>
      %and3A_331 = arith.andi %add3A, %and3A_330 : vector<128x128xi32>
      %ne3A_332 = arith.constant 0 : i32
      %ne3A_333 = vector.broadcast %ne3A_332 : i32 to vector<128x128xi32>
      %ne3A_334 = arith.cmpi ne, %and3A_331, %ne3A_333 : vector<128x128xi32>
      %and3A_335 = arith.constant 16384 : i32
      %and3A_336 = vector.broadcast %and3A_335 : i32 to vector<128x128xi32>
      %and3A_337 = arith.andi %add3A, %and3A_336 : vector<128x128xi32>
      %ne3A_338 = arith.constant 0 : i32
      %ne3A_339 = vector.broadcast %ne3A_338 : i32 to vector<128x128xi32>
      %ne3A_340 = arith.cmpi ne, %and3A_337, %ne3A_339 : vector<128x128xi32>
      %eq3A_341 = arith.xori %ne3A_334, %ne3A_340 : vector<128x128xi1>
      %eq3A_342 = arith.constant dense<true> : vector<128x128xi1>
      %eq3A_343 = arith.xori %eq3A_341, %eq3A_342 : vector<128x128xi1>
      %and3A_344 = arith.andi %eq3A_343, %or3A_324 : vector<128x128xi1>
      %not3A_345 = arith.constant dense<true> : vector<128x128xi1>
      %not3A_346 = arith.xori %eq3A_343, %not3A_345 : vector<128x128xi1>
      %and3A_347 = arith.andi %not3A_346, %or3A_329 : vector<128x128xi1>
      %or3A_348 = arith.ori %and3A_344, %and3A_347 : vector<128x128xi1>
      %select_n3A_349 = arith.select %or3A_348, %select_n3A_309, %scan3A_296 : vector<128x128xi1>, vector<128x128xf32>
      %select_n3A_350 = arith.select %or3A_348, %select_n3A_319, %scan3A_297 : vector<128x128xi1>, vector<128x128xf32>
      scf.yield %select_n3A_349, %select_n3A_350 : vector<128x128xf32>, vector<128x128xf32>
    }
    %scan3A_289 = arith.constant 7 : i32
    %swap3A = arith.constant 0 : index
    %swap3A_290 = arith.constant 0 : index
    %swap3A_291 = vector.load %arg6[%swap3A, %swap3A_290] : memref<128x128xf32, #tpu.memory_space<vmem>>, vector<128x128xf32>
    tpu.vector_store %arg6[%swap3A, %swap3A_290], %scan3A_288#0 {strides = array<i32>} : memref<128x128xf32, #tpu.memory_space<vmem>>, vector<128x128xf32>,
    %swap3A_292 = arith.constant 0 : index
    %swap3A_293 = arith.constant 0 : index
    %swap3A_294 = vector.load %arg7[%swap3A_292, %swap3A_293] : memref<128x128xf32, #tpu.memory_space<vmem>>, vector<128x128xf32>
    tpu.vector_store %arg7[%swap3A_292, %swap3A_293], %scan3A_288#1 {strides = array<i32>} : memref<128x128xf32, #tpu.memory_space<vmem>>, vector<128x128xf32>,
    return
  }
}

</mosaic_0001>

<sc_bundles>
// kernel: gather_offload_async_start
scs
__scs_entry_jumppad:
0x0: {  	(pc) =	sbr.rel $0x88, $3  }
0x1: {  	(tag) =	ssettag $0x0;
	lr =	simm.s32 $0x1  }
0x2: {  	[smem:$0x3F9E] =	sst lr;
	_ =	strace $0xD0000000  }
0x3: {  	_ = 	snop  }
0x4: {  	_ = 	snop  }
0x5: {  	_ = 	snop  }
0x6: {  	_ = 	snop  }
0x7: {  	_ = 	snop  }
__scs_overlays_trampoline_lowered:
0x8: {  	[smem:$0x3FAD] =	sst s0  }
0x9: {  	[smem:$0x3FAE] =	sst s1  }
0xa: {  	[smem:$0x3FAF] =	sst s2  }
0xb: {  	[smem:$0x3FB0] =	sst s3  }
0xc: {  	[smem:$0x3FB1] =	sst s4  }
0xd: {  	[smem:$0x3FB2] =	sst s5  }
0xe: {  	[smem:$0x3FB3] =	sst s6  }
0xf: {  	[smem:$0x3FB4] =	sst s7  }
0x10: {  	[smem:$0x3FB5] =	sst s8  }
0x11: {  	[smem:$0x3FB6] =	sst s9;
	s0 =	simm.s32 @!p0 $0x0  }
0x12: {  	s1 =	sld [smem:$0x3F9C];
	s0 =	simm.s32 @p0 $0x1  }
0x13: {  	[smem:$0x3FB7] =	sst s0;
	s0 =	simm.s32 @!p1 $0x0  }
0x14: {  	s2 =	sld [smem:$0x3F9B];
	s0 =	simm.s32 @p1 $0x1  }
0x15: {  	[smem:$0x3FB8] =	sst s0;
	s0 =	simm.s32 @!p2 $0x0  }
0x16: {  	s3 =	sld [smem:$0x3FDB];
	s0 =	simm.s32 @p2 $0x1  }
0x17: {  	s4 =	simm.s32 $0x1BF5;
	[smem:$0x3FBA] =	sst s0  }
0x18: {  	s0 =	sld [smem:$0x3F9D];
	_ =	swait.ge [sflag:s4], $0x0  }
0x19: {  	s7 =	sld [smem:$0x3F9E]  }
0x1a: {  	s8 =	sadd.s32 $0xFFFFE003, lr  }
0x1b: {  	s9 =	sadd.s32 $0xFFFFFEF7, lr;
	s5 =	simm.s32 $0xFFFFFFFF;
	p2 =	slt.u32 s8, $0xFFFFF086  }
0x1c: {  	p1 =	slt.u32 s9, $0xF7A;
	s5 =	simm.s32 @!p2 $0x0  }
0x1d: {  	s5 =	simm.s32 @p1 $0x1;
	p0 =	seq.s32 s7, s2  }
0x1e: {  	s7 =	smul.u32 @!p0 $0xF7A, s2;
	p2 =	seq.s32 @!p0 s5, $0x0  }
0x1f: {  	s9 =	smul.u32 $0xF7A, s1;
	s8 =	simm.s32 @!p0 $0x1BF5;
	p2 =	por !p2, p0  }
0x20: {  	[sflag:s8] =	ssyncset.s32 @!p0 $0xFFFFF086;
	s6 =	sadd.s32 @!p0 s3, s7;
	s7 =	simm.s32 @!p0 $0x108  }
0x21: {  	s3 =	sadd.s32 s3, s9;
	s6 =	sadd.s32 @!p0 $0x88, s6;
	s7 =	simm.s32 @p2 $0x1082  }
0x22: {  	[simem:s7], [sflag:s8] =	dma.local @!p0 [hbm:s6], $0xF7A  }
0x23: {  	s9 =	sor.u32 $0xD0000000, s2;
	s6 =	simm.s32 $0x108;
	_ =	swait.ge @!p0 [sflag:s8], $0x0  }
0x24: {  	s3 =	sadd.s32 $0x88, s3;
	s6 =	simm.s32 @!p1 $0x1082;
	[sflag:s4] =	ssyncset.s32 $0xFFFFF086  }
0x25: {  	[simem:s6], [sflag:s4] =	dma.local [hbm:s3], $0xF7A  }
0x26: {  	[smem:$0x3F9E] =	sst s1;
	(tag) =	ssettag s2;
	_ =	strace s9  }
0x27: {  	s1 =	sld [smem:$0x3FAE]  }
0x28: {  	s2 =	sld [smem:$0x3FAF]  }
0x29: {  	s4 =	sld [smem:$0x3FB1]  }
0x2a: {  	p0 =	seq.s32 s5, $0x0;
	s5 =	sld [smem:$0x3FB2]  }
0x2b: {  	s6 =	sld [smem:$0x3FB3]  }
0x2c: {  	s7 =	sld [smem:$0x3FB4]  }
0x2d: {  	s3 =	simm.s32 $0x108;
	s8 =	sld [smem:$0x3FB5]  }
0x2e: {  	s3 =	simm.s32 @!p0 $0x1082;
	s9 =	sld [smem:$0x3FB6]  }
0x2f: {  	lr =	sadd.s32 s0, s3;
	s0 =	sld [smem:$0x3FAD]  }
0x30: {  	s3 =	sld [smem:$0x3FB0]  }
0x31: {  	[smem:$0x3FB9] =	sst s10  }
0x32: {  	s10 =	sld [smem:$0x3FB7];
	_ =	sdelay $0x3  }
0x33: {  	p0 =	seq.s32 s10, $0x1;
	s10 =	sld [smem:$0x3FB9];
	_ =	sdelay $0x3  }
0x34: {  	[smem:$0x3FB9] =	sst s10  }
0x35: {  	s10 =	sld [smem:$0x3FB8];
	_ =	sdelay $0x3  }
0x36: {  	p1 =	seq.s32 s10, $0x1;
	s10 =	sld [smem:$0x3FB9];
	_ =	sdelay $0x3  }
0x37: {  	[smem:$0x3FB9] =	sst s10  }
0x38: {  	s10 =	sld [smem:$0x3FBA]  }
0x39: {  	_ = 	snop;
	(pc) =	sbr.ind lr, $3  }
0x3a: {  	_ = 	snop  }
0x3b: {  	_ = 	snop  }
0x3c: {  	p2 =	seq.s32 s10, $0x1;
	s10 =	sld [smem:$0x3FB9]  }
0x3d: {  	_ =	shalt  }
0x3e: {  	_ =	shalt  }
0x3f: {  	_ =	shalt  }
0x40: {  	_ =	shalt  }
0x41: {  	_ =	shalt  }
0x42: {  	_ =	shalt  }
0x43: {  	_ =	shalt  }
0x44: {  	_ =	shalt  }
0x45: {  	_ =	shalt  }
0x46: {  	_ =	shalt  }
0x47: {  	_ =	shalt  }
0x48: {  	_ =	shalt  }
0x49: {  	_ =	shalt  }
0x4a: {  	_ =	shalt  }
0x4b: {  	_ =	shalt  }
0x4c: {  	_ =	shalt  }
0x4d: {  	_ =	shalt  }
0x4e: {  	_ =	shalt  }
0x4f: {  	_ =	shalt  }
0x50: {  	_ =	shalt  }
0x51: {  	_ =	shalt  }
0x52: {  	_ =	shalt  }
0x53: {  	_ =	shalt  }
0x54: {  	_ =	shalt  }
0x55: {  	_ =	shalt  }
0x56: {  	_ =	shalt  }
0x57: {  	_ =	shalt  }
0x58: {  	_ =	shalt  }
0x59: {  	_ =	shalt  }
0x5a: {  	_ =	shalt  }
0x5b: {  	_ =	shalt  }
0x5c: {  	_ =	shalt  }
0x5d: {  	_ =	shalt  }
0x5e: {  	_ =	shalt  }
0x5f: {  	_ =	shalt  }
0x60: {  	_ =	shalt  }
0x61: {  	_ =	shalt  }
0x62: {  	_ =	shalt  }
0x63: {  	_ =	shalt  }
0x64: {  	_ =	shalt  }
0x65: {  	_ =	shalt  }
0x66: {  	_ =	shalt  }
0x67: {  	_ =	shalt  }
0x68: {  	_ =	shalt  }
0x69: {  	_ =	shalt  }
0x6a: {  	_ =	shalt  }
0x6b: {  	_ =	shalt  }
0x6c: {  	_ =	shalt  }
0x6d: {  	_ =	shalt  }
0x6e: {  	_ =	shalt  }
0x6f: {  	_ =	shalt  }
0x70: {  	_ =	shalt  }
0x71: {  	_ =	shalt  }
0x72: {  	_ =	shalt  }
0x73: {  	_ =	shalt  }
0x74: {  	_ =	shalt  }
0x75: {  	_ =	shalt  }
0x76: {  	_ =	shalt  }
0x77: {  	_ =	shalt  }
0x78: {  	_ =	shalt  }
0x79: {  	_ =	shalt  }
0x7a: {  	_ =	shalt  }
0x7b: {  	_ =	shalt  }
0x7c: {  	_ =	shalt  }
0x7d: {  	_ =	shalt  }
0x7e: {  	_ =	shalt  }
0x7f: {  	_ =	shalt  }
0x80: {  	_ =	shalt  }
0x81: {  	_ =	shalt  }
0x82: {  	_ =	shalt  }
0x83: {  	_ =	shalt  }
0x84: {  	_ =	shalt  }
0x85: {  	_ =	shalt  }
0x86: {  	_ =	shalt  }
0x87: {  	_ =	shalt  }
.Lfunc_end0:
.L_simem_size_0:
called_computation_lowered:
.L_overlay_start_0:
0x88: {  	s0 =	sld [smem:$0x3FD9]  }
0x89: {  	s1 =	sld [smem:$0x3FFE];
	_ =	sdelay $0x3  }
0x8a: {  	s0 =	sadd.s32 s1, s0  }
0x8b: {  	[smem:$0x3FC5] =	sst s0  }
0x8c: {  	_ = 	snop  }
0x8d: {  	s0 =	sld [smem:$0x3FD0];
	_ =	sdelay $0x2  }
0x8e: {  	s13 =	simm.s32 $0xA;
	s2 =	simm.s32 $0x10  }
0x8f: {  	[smem:s2], [sflag:s13] =	dma.local [hbm:s0], $0x1  }
0x90: {  	_ =	swait.eq [sflag:s13], $0x1  }
0x91: {  	[sflag:s13] =	ssyncset.done $0x0  }
0x92: {  	s14 =	sld [smem:$0x10];
	[sflag:s13] =	ssyncadd.s32 $0xFFFFFFFF  }
0x93: {  	s15 =	sld [smem:$0x11];
	(tm) =	ssettm $0x1  }
0x94: {  	s16 =	sld [smem:$0x3FFB];
	_ =	sdelay $0x3  }
0x95: {  	_ =	strace s16  }
0x96: {  	s2 =	sld [smem:$0x3FFC];
	_ =	sdelay $0x3  }
0x97: {  	_ =	strace s2  }
0x98: {  	s2 =	sld [smem:$0x3FFD];
	_ =	sdelay $0x3  }
0x99: {  	_ =	strace s2  }
0x9a: {  	_ =	strace $0x8FFFFFFF  }
0x9b: {  	s17 =	sld [smem:$0x3FDB];
	_ =	sdelay $0x1  }
0x9c: {  	s3 =	simm.s32 $_scs_section_size  }
0x9d: {  	s4 =	simm.s32 $_size__tile_overlayer_lowered;
	s5 =	simm.s32 $_tile_overlayer_lowered  }
0x9e: {  	s20 =	simm.s32 $0x1BFF;
	s19 =	sshll.u32 s5, $0x1;
	s2 =	sadd.s32 s3, s17  }
0x9f: {  	s6 =	simm.s32 $0x0;
	s18 =	sshll.u32 s4, $0x1;
	s4 =	sadd.s32 s19, s2  }
0xa0: {  	[timem:s6], [sflag:s20] =	dma.local [hbm:s4], s18  }
0xa1: {  	_ =	swait.ge [sflag:s20], s18  }
0xa2: {  	s3 =	ssub.s32 $0x0, s18;
	[sflag:s20] =	ssyncset.done $0x0  }
0xa3: {  	[sflag:s20] =	ssyncadd.s32 s3;
	_ =	sdelay $0x1  }
0xa4: {  	s21 =	simm.s32 $0x1B8B  }
0xa5: {  	_ =	swait.ge [sflag:s21], $0x1  }
0xa6: {  	[sflag:s21] =	ssyncset.done $0x0  }
0xa7: {  	s23 =	simm.s32 $0x1B8E;
	s22 =	sld [smem:$0x3FFE];
	[sflag:s21] =	ssyncadd.s32 $0xFFFFFFFF  }
0xa8: {  	s24 =	simm.s32 $execute0_lowered;
	[smem:$0x3FD2] =	sst s23  }
0xa9: {  	s4 =	sshll.u32 s24, $0x1;
	_ =	strace $0x80000046;
	[dreg:$0x1] =	wrdreg $0xFFFFFFFF  }
0xaa: {  	s25 =	simm.s32 $_size_execute0_lowered;
	s2 =	sadd.s32 s2, s4;
	[dreg:$0x0] =	wrdreg $0x0  }
0xab: {  	s4 =	sshll.u32 s25, $0x1;
	[dreg:$0x2] =	wrdreg s2  }
0xac: {  	[dreg:$0x3] =	wrdreg s4  }
0xad: {  	[dreg:$0x4] =	wrdreg $0xC0  }
0xae: {  	_ =	task [dreg:s6], $0x5FFFF  }
0xaf: {  	[dreg:$0x1] =	wrdreg $0xFFFFFFFF  }
0xb0: {  	[dreg:$0x0] =	wrdreg $0x60  }
0xb1: {  	[dreg:$0x2] =	wrdreg s22  }
0xb2: {  	[dreg:$0x3] =	wrdreg s15  }
0xb3: {  	[dreg:$0x4] =	wrdreg s14  }
0xb4: {  	[dreg:$0x5] =	wrdreg $0x9  }
0xb5: {  	_ =	task.clear_ibuf [dreg:s6], $0x6FFFF;
	_ =	strace $0x90000046  }
0xb6: {  	s26 =	simm.s32 $0x9;
	_ =	strace $0x80000048  }
0xb7: {  	_ =	swait.ge [sflag:s26], $0x1  }
0xb8: {  	[sflag:s26] =	ssyncadd.s32 $0xFFFFFFFF  }
0xb9: {  	_ =	strace $0x90000048  }
0xba: {  	_ =	sfence  }
0xbb: {  	s28 =	sld [smem:$0x0];
	_ =	sdelay $0x1  }
0xbc: {  	s29 =	srdreg.scid  }
0xbd: {  	s30 =	sshll.u32 s29, $0xD;
	s31 =	sshrl.u32 s29, $0x2  }
0xbe: {  	s1 =	sand.u32 $0x1, s29;
	s2 =	sand.u32 $0x4000, s30;
	s0 =	sadd.s32 s31, s28  }
0xbf: {  	s1 =	sor.u32 s2, s1;
	s0 =	sshll.u32 s0, $0x11  }
0xc0: {  	s0 =	sor.u32 s0, s1  }
0xc1: {  	s0 =	sadd.s32 $0x8F2B, s0  }
0xc2: {  	[sflag:s0] =	ssyncadd.remote.s32 $0x1  }
0xc3: {  	_ =	sfence.sel $0xFFFF  }
0xc4: {  	[dreg:$0x0] =	wrdreg $0xFFFFFFFF;
	(pc) =	sbr.abs _section_cstart, $3  }
0xc5: {  	[dreg:$0x1] =	wrdreg $0xFFFFFFFF  }
0xc6: {  	_ =	task.clear_ibuf [dreg:s6], $0x2FFFF;
	_ =	strace $0x9FFFFFFF  }
0xc7: {  	(tm) =	ssettm $0x7FFFFFFF  }
tec
execute0_lowered:
.L_overlay_start_1:
0x0: {  	(tag) =	ssettag $0x1  }
0x1: {  	s2 =	rddreg [dreg:$0x0]  }
0x2: {  	s3 =	rddreg [dreg:$0x1]  }
0x3: {  	s4 =	rddreg [dreg:$0x2];
	s1 =	stileid.u32  }
0x4: {  	s0 =	rddreg [dreg:$0x3];
	_ =	strace $0x80000047;
	s6 =	simm.s32 $0x1  }
0x5: {  	s8 =	simm.s32 $0x2;
	s30 =	simm.s32 $0x3;
	s5 =	sshll.u32 s1, $0x4  }
0x6: {  	s12 =	simm.s32 $0x0;
	s9 =	simm.s32 $0x0;
	s7 =	ssub.s32 $0x1380, s5  }
0x7: {  	s10 =	simm.s32 $0x0;
	[sflag:s6] =	ssyncpa.u1 $0x0;
	s6 =	sshrl.u32 s7, $0x8  }
0x8: {  	[sflag:s8] =	ssyncpa.u1 $0x0;
	s11 =	smov.u32 s5;
	s31 =	sshll.u32 s6, $0x4  }
0x9: {  	[sflag:s30] =	ssyncpa.u1 $0x0;
	s7 =	sadd.s32 $0x2, s6;
	s8 =	sadd.s32 $0x30, s31  }
.LBB2_1:
0xa: {  	p0 =	sgt.u32 s10, s6  }
0xb: {  	s13 =	sxor.u32 @!p0 $0xFFFFFFFF, s9;
	s14 =	sshrl.u32 @!p0 s11, $0x3  }
0xc: {  	s15 =	sand.u32 @!p0 $0x7, s11;
	s13 =	sand.u32 @!p0 $0x10, s13;
	s14 =	sadd.s32 @!p0 s3, s14  }
0xd: {  	[tilespmem:s13], [sflag:$0x2] =	stream.linear.gather @!p0 [hbm4b:s14+s15], $0x10, $0x38;
	[tilespmem:$0x40] =	vst v63  }
0xe: {  	p0 =	seq.s32 s9, $0x0  }
0xf: {  	p1 =	sge.u32 @!p0 s10, s7  }
0x10: {  	p0 =	por p1, p0  }
0x11: {  	s13 =	simm.s32 @!p0 $0x2  }
0x12: {  	_ =	swait.ge @!p0 [sflag:s13], $0x10  }
0x13: {  	[sflag:s13] =	ssyncset.done @!p0 $0x0  }
0x14: {  	[sflag:s13] =	ssyncadd.s32 @!p0 $0xFFFFFFF0;
	s13 =	sand.u32 @!p0 $0x10, s9  }
0x15: {  	(ifvalue) =	ssetifvalue @!p0 $0x7FFFFFFF;
	v0 =	vld.msk @!p0 [tilespmem:s13+$0x0 ss:$0x1], $0xffff;
	_ =	sdelay $0x4  }
0x16: {  	v1 =	vshrl.u32 @!p0 v0, $0xD  }
0x17: {  	vm0 =	veq.s32 @!p0 v0, $0x80000000;
	v1 =	vand.u32 @!p0 $0x7F, v1  }
0x18: {  	v0 =	vand.u32 @!p0 $0x1FFF, v0;
	v1 =	vsel @!p0 vm0, $0xFFFFFFFF, v1  }
0x19: {  	v0 =	vsel @!p0 vm0, $0xFFFFFFFF, v0;
	v2 =	vshrl.u32 @!p0 v1, $0x3  }
0x1a: {  	v3 =	vshll.u32 @!p0 v0, $0x3;
	v2 =	vmul.u32 @!p0 $0xA000, v2  }
0x1b: {  	v3 =	vand.u32 @!p0 $0xFFFFFC00, v3;
	v1 =	vshll.u32 @!p0 v1, $0x7  }
0x1c: {  	v1 =	vand.u32 @!p0 $0x380, v1;
	v2 =	vadd.s32 @!p0 v3, v2  }
0x1d: {  	v0 =	vand.u32 @!p0 $0x7F, v0;
	v1 =	vor.u32 @!p0 v1, v2  }
0x1e: {  	v0 =	vor.u32 @!p0 v0, v1;
	_ =	sdelay $0x3  }
0x1f: {  	s14 =	simm.s32 @!p0 $0x0;
	s13 =	sor.u32 @!p0 $0x20, s13;
	(ifvalue) =	ssetifvalue @!p0 $0x7FFFFFFF;
	vm0 =	vmmov @!p0 $0xffff  }
0x20: {  	[tilespmem:s13], [sflag:$0x1] =	stream.indirect_vreg.gather @!p0 [hbm4b:s2+s14], $0x1, v0, vm0, $0x4038;
	[tilespmem:$0x40] =	vst v63  }
0x21: {  	s14 =	simm.s32 @!p0 $0x1  }
0x22: {  	_ =	swait.ge @!p0 [sflag:s14], $0x10  }
0x23: {  	s15 =	sshrl.u32 @!p0 s12, $0x3;
	[sflag:s14] =	ssyncset.done @!p0 $0x0  }
0x24: {  	s12 =	sand.u32 @!p0 $0x7, s12;
	[sflag:s14] =	ssyncadd.s32 @!p0 $0xFFFFFFF0;
	s14 =	sadd.s32 @!p0 s4, s15  }
0x25: {  	[hbm4b:s14+s12] =	stream.linear.scatter @!p0 [tilespmem:s13], [sflag:$0x3], $0x10, $0x38;
	[tilespmem:$0x40] =	vst v63  }
0x26: {  	s14 =	sadd.s32 $0x100, s11  }
0x27: {  	s9 =	sadd.s32 $0x10, s9;
	p1 =	sgt.s32 s14, $0x1387  }
0x28: {  	s14 =	smov.u32 @p1 s5;
	p1 =	sne.s32 s8, s9  }
.Ltmp0:
0x29: {  	p0 =	slt.u32 s10, $0x2;
	(pc) =	sbr.rel @p1 .LBB2_1-.Ltmp0, $4  }
0x2a: {  	s13 =	simm.s32 @!p0 $0x3  }
0x2b: {  	_ =	swait.ge @!p0 [sflag:s13], $0x10  }
0x2c: {  	s12 =	smov.u32 s11;
	[sflag:s13] =	ssyncset.done @!p0 $0x0  }
0x2d: {  	s10 =	sadd.s32 $0x1, s10;
	s11 =	smov.u32 s14;
	[sflag:s13] =	ssyncadd.s32 @!p0 $0xFFFFFFF0  }
0x2e: {  	_ =	sfence.sel $0x180000  }
0x2f: {  	s2 =	simm.s32 $0x2;
	[bflag:$0x0] =	sbarrier.arrive $0xFFFF  }
0x30: {  	s30 =	simm.s32 $0x3;
	[sflag:s2] =	ssyncpa.u1 $0x1  }
0x31: {  	s31 =	simm.s32 $0x1;
	[sflag:s30] =	ssyncpa.u1 $0x1  }
0x32: {  	[sflag:s31] =	ssyncpa.u1 $0x1  }
0x33: {  	p0 =	sne.s32 s1, $0x0;
	_ =	strace $0x90000047  }
0x34: {  	s0 =	sadd.s32 @!p0 $0x100000, s0;
	[bflag:$0x2] =	sbarrier.arrive $0xFFFF  }
0x35: {  	[sflag:s0] =	ssyncadd.tile.s32 @!p0 $0x1;
	_ =	shalt  }
.Lfunc_end2:
_tile_overlayer_lowered:
.L_overlay_start_2:
0x36: {  	(tag) =	ssettag $0x2  }
0x37: {  	s0 =	rddreg [dreg:$0x0];
	s2 =	stileid.u32  }
0x38: {  	s1 =	rddreg [dreg:$0x1];
	p0 =	sne.s32 s2, $0x0  }
0x39: {  	s3 =	rddreg [dreg:$0x2];
	[bflag:$0x3] =	sbarrier.arrive $0xFFFF;
	s2 =	simm.s32 @!p0 $0x1C01  }
0x3a: {  	[timem:s3], [sflag:s2] =	dma.local @!p0 [hbm:s0], s1  }
0x3b: {  	s0 =	simm.s32 @!p0 $0x1  }
0x3c: {  	_ =	swait.ge @!p0 [sflag:s0], s1  }
0x3d: {  	s1 =	ssub.s32 @!p0 $0x0, s1;
	[sflag:s0] =	ssyncset.done @!p0 $0x0  }
0x3e: {  	[sflag:s0] =	ssyncadd.s32 @!p0 s1  }
0x3f: {  	[bflag:$0x3] =	sbarrier.arrive $0xFFFF  }
0x40: {  	_ =	shalt  }

</sc_bundles>
